<compile_context>
chip_gen: v7x
topology: tpu7x:2x2x1
jax: 0.10.2.dev20260603
libtpu: 0.0.44.dev20260713+nightly
codegen_flags: <defaults>
</compile_context>

<pallas_src>
import functools

import jax
import jax.numpy as jnp
from jax import lax
from jax.experimental import pallas as pl
from jax.experimental.pallas import tpu as pltpu
from jax.experimental.pallas import tpu_sc as plsc

_INFO = plsc.get_sparse_core_info()
_NC = _INFO.num_cores
_NS = _INFO.num_subcores
_NW = _NC * _NS

_IROW = 128
_G = 5


def _make_gather(n_idx_rows: int, vocab: int, dim: int):
  rows_per_worker = n_idx_rows // _NW
  n_groups = rows_per_worker // _G
  mesh = plsc.VectorSubcoreMesh(core_axis_name="c", subcore_axis_name="s")

  group_rows = _G * _IROW
  assert n_groups % 2 == 0 and n_groups >= 4

  @functools.partial(
      pl.kernel,
      mesh=mesh,
      out_type=jax.ShapeDtypeStruct((n_idx_rows * _IROW, dim), jnp.float32),
      scratch_types=[
          pltpu.VMEM((rows_per_worker, _IROW), jnp.int32),
          pltpu.VMEM((group_rows, dim), jnp.float32),
          pltpu.VMEM((group_rows, dim), jnp.float32),
          pltpu.SemaphoreType.DMA,
          pltpu.SemaphoreType.DMA,
          pltpu.SemaphoreType.DMA,
          pltpu.SemaphoreType.DMA,
      ],
      compiler_params=pltpu.CompilerParams(use_tc_tiling_on_sc=False),
  )
  def gather_kernel(idx_hbm, table_hbm, out_hbm,
                    idx_v, rows0, rows1, gsem0, gsem1, ssem0, ssem1):
    wid = lax.axis_index("s") * _NC + lax.axis_index("c")
    idx_base = wid * rows_per_worker
    out_base = idx_base * _IROW
    bufs = (rows0, rows1)
    gsems = (gsem0, gsem1)
    ssems = (ssem0, ssem1)

    pltpu.sync_copy(idx_hbm.at[pl.ds(idx_base, rows_per_worker)], idx_v)

    def fire_gather(g, p):
      for b in range(_G):
        pltpu.async_copy(
            table_hbm.at[idx_v.at[g * _G + b]],
            bufs[p].at[pl.ds(b * _IROW, _IROW)],
            gsems[p],
        )

    def drain_gather(g, p):
      for b in range(_G):
        pltpu.make_async_copy(
            table_hbm.at[idx_v.at[g * _G + b]],
            bufs[p].at[pl.ds(b * _IROW, _IROW)],
            gsems[p],
        ).wait()

    def fire_store(g, p):
      pltpu.async_copy(
          bufs[p],
          out_hbm.at[pl.ds(out_base + g * group_rows, group_rows)],
          ssems[p],
      )

    def wait_store(g, p):
      pltpu.make_async_copy(
          bufs[p],
          out_hbm.at[pl.ds(out_base + g * group_rows, group_rows)],
          ssems[p],
      ).wait()

    fire_gather(0, 0)
    fire_gather(1, 1)

    @pl.loop(0, n_groups - 2, step=2)
    def _pair(g):
      drain_gather(g, 0)
      fire_store(g, 0)
      drain_gather(g + 1, 1)
      fire_store(g + 1, 1)
      wait_store(g, 0)
      fire_gather(g + 2, 0)
      wait_store(g + 1, 1)
      fire_gather(g + 3, 1)

    g_last = n_groups - 2
    drain_gather(g_last, 0)
    fire_store(g_last, 0)
    drain_gather(g_last + 1, 1)
    fire_store(g_last + 1, 1)
    wait_store(g_last, 0)
    wait_store(g_last + 1, 1)

  return gather_kernel


def kernel(input_ids, weight):
  bsz, seq = input_ids.shape
  vocab, dim = weight.shape
  n = bsz * seq
  assert n % (_NW * _G * _IROW) == 0
  idx2d = input_ids.reshape(n // _IROW, _IROW)
  out = _make_gather(n // _IROW, vocab, dim)(idx2d, weight)
  return out.reshape(bsz, seq, dim)

# --- scband reference (transcript-rebuilt; emitter-appended) ---
"""Pipeline reference for scband-ghost-embedding-60060822667789 (READ-ONLY COPY).

The authoritative reference and input builder live on the scoring server;
editing this copy changes nothing except your own understanding.
"""

import jax, jax.numpy as jnp
import numpy as np

NUM_EMBEDDINGS = 100000
EMBEDDING_DIM = 64
SPARSITY = 0.5

def setup_inputs(seed: int = 0) -> dict:
    key = jax.random.key(seed)
    k1, k2 = jax.random.split(key)
    # Replicate GhostEmbedding init: seed-based ternary weight table
    w_raw = jax.random.normal(k1, (NUM_EMBEDDINGS, EMBEDDING_DIM), dtype=jnp.float32)
    threshold = jnp.quantile(jnp.abs(w_raw), SPARSITY)
    mask = (jnp.abs(w_raw) > threshold).astype(jnp.float32)
    signs = jnp.sign(w_raw)
    weight = signs * mask
    input_ids = jax.random.randint(k2, (4096, 200), 0, NUM_EMBEDDINGS, dtype=jnp.int32)
    return {"input_ids": input_ids, "weight": weight}

def reference(input_ids, weight):
    # F.embedding(input_ids, weight) -> gather rows
    return jnp.take(weight, input_ids, axis=0)

if __name__ == "__main__":
    import jax
    _d = setup_inputs()
    print(jax.jit(kernel)(*tuple(_d.values())))

</pallas_src>

<mosaic_0001>
#map = affine_map<(d0, d1) -> (0, 0)>
module attributes {stable_mosaic.version = 14 : i64} {
  func.func @gather_kernel(%arg0: i32, %arg1: i32, %arg2: memref<6400x128xi32, #tpu.memory_space<hbm>>, %arg3: memref<100000x64xf32, #tpu.memory_space<hbm>>, %arg4: memref<819200x64xf32, #tpu.memory_space<hbm>>, %arg5: memref<200x128xi32, #tpu.memory_space<vmem>>, %arg6: memref<640x64xf32, #tpu.memory_space<vmem>>, %arg7: memref<640x64xf32, #tpu.memory_space<vmem>>, %arg8: memref<!tpu.dma_semaphore, #tpu.memory_space<semaphore_mem>>, %arg9: memref<!tpu.dma_semaphore, #tpu.memory_space<semaphore_mem>>, %arg10: memref<!tpu.dma_semaphore, #tpu.memory_space<semaphore_mem>>, %arg11: memref<!tpu.dma_semaphore, #tpu.memory_space<semaphore_mem>>) attributes {dimension_semantics = [#tpu.dimension_semantics<core_parallel>, #tpu.dimension_semantics<subcore_parallel>], iteration_bounds = array<i64: 2, 16>, scalar_prefetch = 0 : i64, scratch_operands = 7 : i64, tpu.core_type = #tpu.core_type<sc_vector_subcore>, window_params = [{transform_indices = #map}, {transform_indices = #map}, {transform_indices = #map}]} {
    %mul3A = arith.constant 2 : i32
    %mul3A_0 = arith.muli %arg1, %mul3A : i32
    %add3A = arith.addi %mul3A_0, %arg0 : i32
    %mul3A_1 = arith.constant 200 : i32
    %mul3A_2 = arith.muli %add3A, %mul3A_1 : i32
    %mul3A_3 = arith.constant 128 : i32
    %mul3A_4 = arith.muli %mul3A_2, %mul3A_3 : i32
    "tpu.region"() ({
      %run_scoped3A = tpu.sem_alloc : memref<!tpu.dma_semaphore, #tpu.memory_space<semaphore_mem>>
      %dma_start3A_231 = arith.constant 0 : i32
      %dma_start3A_232 = tpu.memref_slice %arg2[%mul3A_2, %dma_start3A_231] : memref<6400x128xi32, #tpu.memory_space<hbm>> -> memref<200x128xi32, #tpu.memory_space<hbm>>
      %dma_start3A_233 = arith.constant 0 : i32
      %dma_start3A_234 = tpu.memref_slice %arg2[%mul3A_2, %dma_start3A_233] : memref<6400x128xi32, #tpu.memory_space<hbm>> -> memref<200x128xi32, #tpu.memory_space<hbm>>
      tpu.enqueue_dma source(%dma_start3A_234 : memref<200x128xi32, #tpu.memory_space<hbm>>) target(%arg5 : memref<200x128xi32, #tpu.memory_space<vmem>>) target_semaphore(%run_scoped3A : memref<!tpu.dma_semaphore, #tpu.memory_space<semaphore_mem>>)
      %dma_wait3A_235 = arith.constant 0 : i32
      %dma_wait3A_236 = tpu.memref_slice %arg2[%mul3A_2, %dma_wait3A_235] : memref<6400x128xi32, #tpu.memory_space<hbm>> -> memref<200x128xi32, #tpu.memory_space<hbm>>
      %dma_wait3A_237 = arith.constant 0 : i32
      %dma_wait3A_238 = tpu.memref_slice %arg2[%mul3A_2, %dma_wait3A_237] : memref<6400x128xi32, #tpu.memory_space<hbm>> -> memref<200x128xi32, #tpu.memory_space<hbm>>
      tpu.wait_dma2 semaphore(%run_scoped3A : memref<!tpu.dma_semaphore, #tpu.memory_space<semaphore_mem>>) src(%dma_wait3A_238 : memref<200x128xi32, #tpu.memory_space<hbm>>) dst(%arg5 : memref<200x128xi32, #tpu.memory_space<vmem>>)
      tpu.yield
    }) : () -> ()
    %dma_start3A = arith.constant 0 : i32
    %dma_start3A_5 = arith.constant 0 : i32
    %dma_start3A_6 = arith.constant 0 : i32
    %dma_start3A_7 = tpu.memref_slice %arg6[%dma_start3A_5, %dma_start3A_6] : memref<640x64xf32, #tpu.memory_space<vmem>> -> memref<128x64xf32, #tpu.memory_space<vmem>>
    %dma_start3A_8 = arith.constant 0 : i32
    %dma_start3A_9 = tpu.memref_slice %arg5[%dma_start3A, %dma_start3A_8] : memref<200x128xi32, #tpu.memory_space<vmem>> -> memref<1x128xi32, #tpu.memory_space<vmem>>
    %dma_start3A_10 = tpu.memref_squeeze %dma_start3A_9 : memref<1x128xi32, #tpu.memory_space<vmem>> -> memref<128xi32, #tpu.memory_space<vmem>>
    %dma_start3A_11 = arith.constant 0 : i32
    %dma_start3A_12 = arith.constant 0 : i32
    %dma_start3A_13 = tpu.memref_slice %arg3[%dma_start3A_11, %dma_start3A_12] : memref<100000x64xf32, #tpu.memory_space<hbm>> -> memref<100000x64xf32, #tpu.memory_space<hbm>>
    tpu.enqueue_indirect_dma source(%dma_start3A_13 : memref<100000x64xf32, #tpu.memory_space<hbm>>) target(%dma_start3A_7 : memref<128x64xf32, #tpu.memory_space<vmem>>) offsets(%dma_start3A_10 : memref<128xi32, #tpu.memory_space<vmem>>) semaphore(%arg8 : memref<!tpu.dma_semaphore, #tpu.memory_space<semaphore_mem>>)
    %dma_start3A_14 = arith.constant 1 : i32
    %dma_start3A_15 = arith.constant 128 : i32
    %dma_start3A_16 = arith.constant 0 : i32
    %dma_start3A_17 = tpu.memref_slice %arg6[%dma_start3A_15, %dma_start3A_16] : memref<640x64xf32, #tpu.memory_space<vmem>> -> memref<128x64xf32, #tpu.memory_space<vmem>>
    %dma_start3A_18 = arith.constant 0 : i32
    %dma_start3A_19 = tpu.memref_slice %arg5[%dma_start3A_14, %dma_start3A_18] : memref<200x128xi32, #tpu.memory_space<vmem>> -> memref<1x128xi32, #tpu.memory_space<vmem>>
    %dma_start3A_20 = tpu.memref_squeeze %dma_start3A_19 : memref<1x128xi32, #tpu.memory_space<vmem>> -> memref<128xi32, #tpu.memory_space<vmem>>
    %dma_start3A_21 = arith.constant 0 : i32
    %dma_start3A_22 = arith.constant 0 : i32
    %dma_start3A_23 = tpu.memref_slice %arg3[%dma_start3A_21, %dma_start3A_22] : memref<100000x64xf32, #tpu.memory_space<hbm>> -> memref<100000x64xf32, #tpu.memory_space<hbm>>
    tpu.enqueue_indirect_dma source(%dma_start3A_23 : memref<100000x64xf32, #tpu.memory_space<hbm>>) target(%dma_start3A_17 : memref<128x64xf32, #tpu.memory_space<vmem>>) offsets(%dma_start3A_20 : memref<128xi32, #tpu.memory_space<vmem>>) semaphore(%arg8 : memref<!tpu.dma_semaphore, #tpu.memory_space<semaphore_mem>>)
    %dma_start3A_24 = arith.constant 2 : i32
    %dma_start3A_25 = arith.constant 256 : i32
    %dma_start3A_26 = arith.constant 0 : i32
    %dma_start3A_27 = tpu.memref_slice %arg6[%dma_start3A_25, %dma_start3A_26] : memref<640x64xf32, #tpu.memory_space<vmem>> -> memref<128x64xf32, #tpu.memory_space<vmem>>
    %dma_start3A_28 = arith.constant 0 : i32
    %dma_start3A_29 = tpu.memref_slice %arg5[%dma_start3A_24, %dma_start3A_28] : memref<200x128xi32, #tpu.memory_space<vmem>> -> memref<1x128xi32, #tpu.memory_space<vmem>>
    %dma_start3A_30 = tpu.memref_squeeze %dma_start3A_29 : memref<1x128xi32, #tpu.memory_space<vmem>> -> memref<128xi32, #tpu.memory_space<vmem>>
    %dma_start3A_31 = arith.constant 0 : i32
    %dma_start3A_32 = arith.constant 0 : i32
    %dma_start3A_33 = tpu.memref_slice %arg3[%dma_start3A_31, %dma_start3A_32] : memref<100000x64xf32, #tpu.memory_space<hbm>> -> memref<100000x64xf32, #tpu.memory_space<hbm>>
    tpu.enqueue_indirect_dma source(%dma_start3A_33 : memref<100000x64xf32, #tpu.memory_space<hbm>>) target(%dma_start3A_27 : memref<128x64xf32, #tpu.memory_space<vmem>>) offsets(%dma_start3A_30 : memref<128xi32, #tpu.memory_space<vmem>>) semaphore(%arg8 : memref<!tpu.dma_semaphore, #tpu.memory_space<semaphore_mem>>)
    %dma_start3A_34 = arith.constant 3 : i32
    %dma_start3A_35 = arith.constant 384 : i32
    %dma_start3A_36 = arith.constant 0 : i32
    %dma_start3A_37 = tpu.memref_slice %arg6[%dma_start3A_35, %dma_start3A_36] : memref<640x64xf32, #tpu.memory_space<vmem>> -> memref<128x64xf32, #tpu.memory_space<vmem>>
    %dma_start3A_38 = arith.constant 0 : i32
    %dma_start3A_39 = tpu.memref_slice %arg5[%dma_start3A_34, %dma_start3A_38] : memref<200x128xi32, #tpu.memory_space<vmem>> -> memref<1x128xi32, #tpu.memory_space<vmem>>
    %dma_start3A_40 = tpu.memref_squeeze %dma_start3A_39 : memref<1x128xi32, #tpu.memory_space<vmem>> -> memref<128xi32, #tpu.memory_space<vmem>>
    %dma_start3A_41 = arith.constant 0 : i32
    %dma_start3A_42 = arith.constant 0 : i32
    %dma_start3A_43 = tpu.memref_slice %arg3[%dma_start3A_41, %dma_start3A_42] : memref<100000x64xf32, #tpu.memory_space<hbm>> -> memref<100000x64xf32, #tpu.memory_space<hbm>>
    tpu.enqueue_indirect_dma source(%dma_start3A_43 : memref<100000x64xf32, #tpu.memory_space<hbm>>) target(%dma_start3A_37 : memref<128x64xf32, #tpu.memory_space<vmem>>) offsets(%dma_start3A_40 : memref<128xi32, #tpu.memory_space<vmem>>) semaphore(%arg8 : memref<!tpu.dma_semaphore, #tpu.memory_space<semaphore_mem>>)
    %dma_start3A_44 = arith.constant 4 : i32
    %dma_start3A_45 = arith.constant 512 : i32
    %dma_start3A_46 = arith.constant 0 : i32
    %dma_start3A_47 = tpu.memref_slice %arg6[%dma_start3A_45, %dma_start3A_46] : memref<640x64xf32, #tpu.memory_space<vmem>> -> memref<128x64xf32, #tpu.memory_space<vmem>>
    %dma_start3A_48 = arith.constant 0 : i32
    %dma_start3A_49 = tpu.memref_slice %arg5[%dma_start3A_44, %dma_start3A_48] : memref<200x128xi32, #tpu.memory_space<vmem>> -> memref<1x128xi32, #tpu.memory_space<vmem>>
    %dma_start3A_50 = tpu.memref_squeeze %dma_start3A_49 : memref<1x128xi32, #tpu.memory_space<vmem>> -> memref<128xi32, #tpu.memory_space<vmem>>
    %dma_start3A_51 = arith.constant 0 : i32
    %dma_start3A_52 = arith.constant 0 : i32
    %dma_start3A_53 = tpu.memref_slice %arg3[%dma_start3A_51, %dma_start3A_52] : memref<100000x64xf32, #tpu.memory_space<hbm>> -> memref<100000x64xf32, #tpu.memory_space<hbm>>
    tpu.enqueue_indirect_dma source(%dma_start3A_53 : memref<100000x64xf32, #tpu.memory_space<hbm>>) target(%dma_start3A_47 : memref<128x64xf32, #tpu.memory_space<vmem>>) offsets(%dma_start3A_50 : memref<128xi32, #tpu.memory_space<vmem>>) semaphore(%arg8 : memref<!tpu.dma_semaphore, #tpu.memory_space<semaphore_mem>>)
    %dma_start3A_54 = arith.constant 5 : i32
    %dma_start3A_55 = arith.constant 0 : i32
    %dma_start3A_56 = arith.constant 0 : i32
    %dma_start3A_57 = tpu.memref_slice %arg7[%dma_start3A_55, %dma_start3A_56] : memref<640x64xf32, #tpu.memory_space<vmem>> -> memref<128x64xf32, #tpu.memory_space<vmem>>
    %dma_start3A_58 = arith.constant 0 : i32
    %dma_start3A_59 = tpu.memref_slice %arg5[%dma_start3A_54, %dma_start3A_58] : memref<200x128xi32, #tpu.memory_space<vmem>> -> memref<1x128xi32, #tpu.memory_space<vmem>>
    %dma_start3A_60 = tpu.memref_squeeze %dma_start3A_59 : memref<1x128xi32, #tpu.memory_space<vmem>> -> memref<128xi32, #tpu.memory_space<vmem>>
    %dma_start3A_61 = arith.constant 0 : i32
    %dma_start3A_62 = arith.constant 0 : i32
    %dma_start3A_63 = tpu.memref_slice %arg3[%dma_start3A_61, %dma_start3A_62] : memref<100000x64xf32, #tpu.memory_space<hbm>> -> memref<100000x64xf32, #tpu.memory_space<hbm>>
    tpu.enqueue_indirect_dma source(%dma_start3A_63 : memref<100000x64xf32, #tpu.memory_space<hbm>>) target(%dma_start3A_57 : memref<128x64xf32, #tpu.memory_space<vmem>>) offsets(%dma_start3A_60 : memref<128xi32, #tpu.memory_space<vmem>>) semaphore(%arg9 : memref<!tpu.dma_semaphore, #tpu.memory_space<semaphore_mem>>)
    %dma_start3A_64 = arith.constant 6 : i32
    %dma_start3A_65 = arith.constant 128 : i32
    %dma_start3A_66 = arith.constant 0 : i32
    %dma_start3A_67 = tpu.memref_slice %arg7[%dma_start3A_65, %dma_start3A_66] : memref<640x64xf32, #tpu.memory_space<vmem>> -> memref<128x64xf32, #tpu.memory_space<vmem>>
    %dma_start3A_68 = arith.constant 0 : i32
    %dma_start3A_69 = tpu.memref_slice %arg5[%dma_start3A_64, %dma_start3A_68] : memref<200x128xi32, #tpu.memory_space<vmem>> -> memref<1x128xi32, #tpu.memory_space<vmem>>
    %dma_start3A_70 = tpu.memref_squeeze %dma_start3A_69 : memref<1x128xi32, #tpu.memory_space<vmem>> -> memref<128xi32, #tpu.memory_space<vmem>>
    %dma_start3A_71 = arith.constant 0 : i32
    %dma_start3A_72 = arith.constant 0 : i32
    %dma_start3A_73 = tpu.memref_slice %arg3[%dma_start3A_71, %dma_start3A_72] : memref<100000x64xf32, #tpu.memory_space<hbm>> -> memref<100000x64xf32, #tpu.memory_space<hbm>>
    tpu.enqueue_indirect_dma source(%dma_start3A_73 : memref<100000x64xf32, #tpu.memory_space<hbm>>) target(%dma_start3A_67 : memref<128x64xf32, #tpu.memory_space<vmem>>) offsets(%dma_start3A_70 : memref<128xi32, #tpu.memory_space<vmem>>) semaphore(%arg9 : memref<!tpu.dma_semaphore, #tpu.memory_space<semaphore_mem>>)
    %dma_start3A_74 = arith.constant 7 : i32
    %dma_start3A_75 = arith.constant 256 : i32
    %dma_start3A_76 = arith.constant 0 : i32
    %dma_start3A_77 = tpu.memref_slice %arg7[%dma_start3A_75, %dma_start3A_76] : memref<640x64xf32, #tpu.memory_space<vmem>> -> memref<128x64xf32, #tpu.memory_space<vmem>>
    %dma_start3A_78 = arith.constant 0 : i32
    %dma_start3A_79 = tpu.memref_slice %arg5[%dma_start3A_74, %dma_start3A_78] : memref<200x128xi32, #tpu.memory_space<vmem>> -> memref<1x128xi32, #tpu.memory_space<vmem>>
    %dma_start3A_80 = tpu.memref_squeeze %dma_start3A_79 : memref<1x128xi32, #tpu.memory_space<vmem>> -> memref<128xi32, #tpu.memory_space<vmem>>
    %dma_start3A_81 = arith.constant 0 : i32
    %dma_start3A_82 = arith.constant 0 : i32
    %dma_start3A_83 = tpu.memref_slice %arg3[%dma_start3A_81, %dma_start3A_82] : memref<100000x64xf32, #tpu.memory_space<hbm>> -> memref<100000x64xf32, #tpu.memory_space<hbm>>
    tpu.enqueue_indirect_dma source(%dma_start3A_83 : memref<100000x64xf32, #tpu.memory_space<hbm>>) target(%dma_start3A_77 : memref<128x64xf32, #tpu.memory_space<vmem>>) offsets(%dma_start3A_80 : memref<128xi32, #tpu.memory_space<vmem>>) semaphore(%arg9 : memref<!tpu.dma_semaphore, #tpu.memory_space<semaphore_mem>>)
    %dma_start3A_84 = arith.constant 8 : i32
    %dma_start3A_85 = arith.constant 384 : i32
    %dma_start3A_86 = arith.constant 0 : i32
    %dma_start3A_87 = tpu.memref_slice %arg7[%dma_start3A_85, %dma_start3A_86] : memref<640x64xf32, #tpu.memory_space<vmem>> -> memref<128x64xf32, #tpu.memory_space<vmem>>
    %dma_start3A_88 = arith.constant 0 : i32
    %dma_start3A_89 = tpu.memref_slice %arg5[%dma_start3A_84, %dma_start3A_88] : memref<200x128xi32, #tpu.memory_space<vmem>> -> memref<1x128xi32, #tpu.memory_space<vmem>>
    %dma_start3A_90 = tpu.memref_squeeze %dma_start3A_89 : memref<1x128xi32, #tpu.memory_space<vmem>> -> memref<128xi32, #tpu.memory_space<vmem>>
    %dma_start3A_91 = arith.constant 0 : i32
    %dma_start3A_92 = arith.constant 0 : i32
    %dma_start3A_93 = tpu.memref_slice %arg3[%dma_start3A_91, %dma_start3A_92] : memref<100000x64xf32, #tpu.memory_space<hbm>> -> memref<100000x64xf32, #tpu.memory_space<hbm>>
    tpu.enqueue_indirect_dma source(%dma_start3A_93 : memref<100000x64xf32, #tpu.memory_space<hbm>>) target(%dma_start3A_87 : memref<128x64xf32, #tpu.memory_space<vmem>>) offsets(%dma_start3A_90 : memref<128xi32, #tpu.memory_space<vmem>>) semaphore(%arg9 : memref<!tpu.dma_semaphore, #tpu.memory_space<semaphore_mem>>)
    %dma_start3A_94 = arith.constant 9 : i32
    %dma_start3A_95 = arith.constant 512 : i32
    %dma_start3A_96 = arith.constant 0 : i32
    %dma_start3A_97 = tpu.memref_slice %arg7[%dma_start3A_95, %dma_start3A_96] : memref<640x64xf32, #tpu.memory_space<vmem>> -> memref<128x64xf32, #tpu.memory_space<vmem>>
    %dma_start3A_98 = arith.constant 0 : i32
    %dma_start3A_99 = tpu.memref_slice %arg5[%dma_start3A_94, %dma_start3A_98] : memref<200x128xi32, #tpu.memory_space<vmem>> -> memref<1x128xi32, #tpu.memory_space<vmem>>
    %dma_start3A_100 = tpu.memref_squeeze %dma_start3A_99 : memref<1x128xi32, #tpu.memory_space<vmem>> -> memref<128xi32, #tpu.memory_space<vmem>>
    %dma_start3A_101 = arith.constant 0 : i32
    %dma_start3A_102 = arith.constant 0 : i32
    %dma_start3A_103 = tpu.memref_slice %arg3[%dma_start3A_101, %dma_start3A_102] : memref<100000x64xf32, #tpu.memory_space<hbm>> -> memref<100000x64xf32, #tpu.memory_space<hbm>>
    tpu.enqueue_indirect_dma source(%dma_start3A_103 : memref<100000x64xf32, #tpu.memory_space<hbm>>) target(%dma_start3A_97 : memref<128x64xf32, #tpu.memory_space<vmem>>) offsets(%dma_start3A_100 : memref<128xi32, #tpu.memory_space<vmem>>) semaphore(%arg9 : memref<!tpu.dma_semaphore, #tpu.memory_space<semaphore_mem>>)
    %scan3A = arith.constant 0 : i32
    %scan3A_104 = arith.constant 19 : i32
    %scan3A_105 = arith.addi %scan3A, %scan3A_104 : i32
    %scan3A_106 = arith.constant 1 : i32
    scf.for %scan3A_231 = %scan3A to %scan3A_105 step %scan3A_106  : i32 {
      %mul3A_232 = arith.constant 2 : i32
      %mul3A_233 = arith.muli %scan3A_231, %mul3A_232 : i32
      %add3A_234 = arith.constant 0 : i32
      %add3A_235 = arith.addi %add3A_234, %mul3A_233 : i32
      %mul3A_236 = arith.constant 5 : i32
      %mul3A_237 = arith.muli %add3A_235, %mul3A_236 : i32
      %add3A_238 = arith.constant 0 : i32
      %add3A_239 = arith.addi %mul3A_237, %add3A_238 : i32
      %dma_wait3A_240 = arith.constant 0 : i32
      %dma_wait3A_241 = arith.constant 0 : i32
      %dma_wait3A_242 = tpu.memref_slice %arg6[%dma_wait3A_240, %dma_wait3A_241] : memref<640x64xf32, #tpu.memory_space<vmem>> -> memref<128x64xf32, #tpu.memory_space<vmem>>
      %dma_wait3A_243 = arith.constant 0 : i32
      %dma_wait3A_244 = tpu.memref_slice %arg5[%add3A_239, %dma_wait3A_243] : memref<200x128xi32, #tpu.memory_space<vmem>> -> memref<1x128xi32, #tpu.memory_space<vmem>>
      %dma_wait3A_245 = tpu.memref_squeeze %dma_wait3A_244 : memref<1x128xi32, #tpu.memory_space<vmem>> -> memref<128xi32, #tpu.memory_space<vmem>>
      %dma_wait3A_246 = arith.constant 0 : i32
      %dma_wait3A_247 = arith.constant 0 : i32
      %dma_wait3A_248 = tpu.memref_slice %arg3[%dma_wait3A_246, %dma_wait3A_247] : memref<100000x64xf32, #tpu.memory_space<hbm>> -> memref<100000x64xf32, #tpu.memory_space<hbm>>
      tpu.wait_indirect_dma semaphore(%arg8 : memref<!tpu.dma_semaphore, #tpu.memory_space<semaphore_mem>>) src(%dma_wait3A_248 : memref<100000x64xf32, #tpu.memory_space<hbm>>) dst(%dma_wait3A_242 : memref<128x64xf32, #tpu.memory_space<vmem>>)
      %mul3A_249 = arith.constant 5 : i32
      %mul3A_250 = arith.muli %add3A_235, %mul3A_249 : i32
      %add3A_251 = arith.constant 1 : i32
      %add3A_252 = arith.addi %mul3A_250, %add3A_251 : i32
      %dma_wait3A_253 = arith.constant 128 : i32
      %dma_wait3A_254 = arith.constant 0 : i32
      %dma_wait3A_255 = tpu.memref_slice %arg6[%dma_wait3A_253, %dma_wait3A_254] : memref<640x64xf32, #tpu.memory_space<vmem>> -> memref<128x64xf32, #tpu.memory_space<vmem>>
      %dma_wait3A_256 = arith.constant 0 : i32
      %dma_wait3A_257 = tpu.memref_slice %arg5[%add3A_252, %dma_wait3A_256] : memref<200x128xi32, #tpu.memory_space<vmem>> -> memref<1x128xi32, #tpu.memory_space<vmem>>
      %dma_wait3A_258 = tpu.memref_squeeze %dma_wait3A_257 : memref<1x128xi32, #tpu.memory_space<vmem>> -> memref<128xi32, #tpu.memory_space<vmem>>
      %dma_wait3A_259 = arith.constant 0 : i32
      %dma_wait3A_260 = arith.constant 0 : i32
      %dma_wait3A_261 = tpu.memref_slice %arg3[%dma_wait3A_259, %dma_wait3A_260] : memref<100000x64xf32, #tpu.memory_space<hbm>> -> memref<100000x64xf32, #tpu.memory_space<hbm>>
      tpu.wait_indirect_dma semaphore(%arg8 : memref<!tpu.dma_semaphore, #tpu.memory_space<semaphore_mem>>) src(%dma_wait3A_261 : memref<100000x64xf32, #tpu.memory_space<hbm>>) dst(%dma_wait3A_255 : memref<128x64xf32, #tpu.memory_space<vmem>>)
      %mul3A_262 = arith.constant 5 : i32
      %mul3A_263 = arith.muli %add3A_235, %mul3A_262 : i32
      %add3A_264 = arith.constant 2 : i32
      %add3A_265 = arith.addi %mul3A_263, %add3A_264 : i32
      %dma_wait3A_266 = arith.constant 256 : i32
      %dma_wait3A_267 = arith.constant 0 : i32
      %dma_wait3A_268 = tpu.memref_slice %arg6[%dma_wait3A_266, %dma_wait3A_267] : memref<640x64xf32, #tpu.memory_space<vmem>> -> memref<128x64xf32, #tpu.memory_space<vmem>>
      %dma_wait3A_269 = arith.constant 0 : i32
      %dma_wait3A_270 = tpu.memref_slice %arg5[%add3A_265, %dma_wait3A_269] : memref<200x128xi32, #tpu.memory_space<vmem>> -> memref<1x128xi32, #tpu.memory_space<vmem>>
      %dma_wait3A_271 = tpu.memref_squeeze %dma_wait3A_270 : memref<1x128xi32, #tpu.memory_space<vmem>> -> memref<128xi32, #tpu.memory_space<vmem>>
      %dma_wait3A_272 = arith.constant 0 : i32
      %dma_wait3A_273 = arith.constant 0 : i32
      %dma_wait3A_274 = tpu.memref_slice %arg3[%dma_wait3A_272, %dma_wait3A_273] : memref<100000x64xf32, #tpu.memory_space<hbm>> -> memref<100000x64xf32, #tpu.memory_space<hbm>>
      tpu.wait_indirect_dma semaphore(%arg8 : memref<!tpu.dma_semaphore, #tpu.memory_space<semaphore_mem>>) src(%dma_wait3A_274 : memref<100000x64xf32, #tpu.memory_space<hbm>>) dst(%dma_wait3A_268 : memref<128x64xf32, #tpu.memory_space<vmem>>)
      %mul3A_275 = arith.constant 5 : i32
      %mul3A_276 = arith.muli %add3A_235, %mul3A_275 : i32
      %add3A_277 = arith.constant 3 : i32
      %add3A_278 = arith.addi %mul3A_276, %add3A_277 : i32
      %dma_wait3A_279 = arith.constant 384 : i32
      %dma_wait3A_280 = arith.constant 0 : i32
      %dma_wait3A_281 = tpu.memref_slice %arg6[%dma_wait3A_279, %dma_wait3A_280] : memref<640x64xf32, #tpu.memory_space<vmem>> -> memref<128x64xf32, #tpu.memory_space<vmem>>
      %dma_wait3A_282 = arith.constant 0 : i32
      %dma_wait3A_283 = tpu.memref_slice %arg5[%add3A_278, %dma_wait3A_282] : memref<200x128xi32, #tpu.memory_space<vmem>> -> memref<1x128xi32, #tpu.memory_space<vmem>>
      %dma_wait3A_284 = tpu.memref_squeeze %dma_wait3A_283 : memref<1x128xi32, #tpu.memory_space<vmem>> -> memref<128xi32, #tpu.memory_space<vmem>>
      %dma_wait3A_285 = arith.constant 0 : i32
      %dma_wait3A_286 = arith.constant 0 : i32
      %dma_wait3A_287 = tpu.memref_slice %arg3[%dma_wait3A_285, %dma_wait3A_286] : memref<100000x64xf32, #tpu.memory_space<hbm>> -> memref<100000x64xf32, #tpu.memory_space<hbm>>
      tpu.wait_indirect_dma semaphore(%arg8 : memref<!tpu.dma_semaphore, #tpu.memory_space<semaphore_mem>>) src(%dma_wait3A_287 : memref<100000x64xf32, #tpu.memory_space<hbm>>) dst(%dma_wait3A_281 : memref<128x64xf32, #tpu.memory_space<vmem>>)
      %mul3A_288 = arith.constant 5 : i32
      %mul3A_289 = arith.muli %add3A_235, %mul3A_288 : i32
      %add3A_290 = arith.constant 4 : i32
      %add3A_291 = arith.addi %mul3A_289, %add3A_290 : i32
      %dma_wait3A_292 = arith.constant 512 : i32
      %dma_wait3A_293 = arith.constant 0 : i32
      %dma_wait3A_294 = tpu.memref_slice %arg6[%dma_wait3A_292, %dma_wait3A_293] : memref<640x64xf32, #tpu.memory_space<vmem>> -> memref<128x64xf32, #tpu.memory_space<vmem>>
      %dma_wait3A_295 = arith.constant 0 : i32
      %dma_wait3A_296 = tpu.memref_slice %arg5[%add3A_291, %dma_wait3A_295] : memref<200x128xi32, #tpu.memory_space<vmem>> -> memref<1x128xi32, #tpu.memory_space<vmem>>
      %dma_wait3A_297 = tpu.memref_squeeze %dma_wait3A_296 : memref<1x128xi32, #tpu.memory_space<vmem>> -> memref<128xi32, #tpu.memory_space<vmem>>
      %dma_wait3A_298 = arith.constant 0 : i32
      %dma_wait3A_299 = arith.constant 0 : i32
      %dma_wait3A_300 = tpu.memref_slice %arg3[%dma_wait3A_298, %dma_wait3A_299] : memref<100000x64xf32, #tpu.memory_space<hbm>> -> memref<100000x64xf32, #tpu.memory_space<hbm>>
      tpu.wait_indirect_dma semaphore(%arg8 : memref<!tpu.dma_semaphore, #tpu.memory_space<semaphore_mem>>) src(%dma_wait3A_300 : memref<100000x64xf32, #tpu.memory_space<hbm>>) dst(%dma_wait3A_294 : memref<128x64xf32, #tpu.memory_space<vmem>>)
      %mul3A_301 = arith.constant 640 : i32
      %mul3A_302 = arith.muli %add3A_235, %mul3A_301 : i32
      %add3A_303 = arith.addi %mul3A_4, %mul3A_302 : i32
      %dma_start3A_304 = arith.constant 0 : i32
      %dma_start3A_305 = tpu.memref_slice %arg4[%add3A_303, %dma_start3A_304] : memref<819200x64xf32, #tpu.memory_space<hbm>> -> memref<640x64xf32, #tpu.memory_space<hbm>>
      %dma_start3A_306 = arith.constant 0 : i32
      %dma_start3A_307 = tpu.memref_slice %arg4[%add3A_303, %dma_start3A_306] : memref<819200x64xf32, #tpu.memory_space<hbm>> -> memref<640x64xf32, #tpu.memory_space<hbm>>
      tpu.enqueue_dma source(%arg6 : memref<640x64xf32, #tpu.memory_space<vmem>>) target(%dma_start3A_307 : memref<640x64xf32, #tpu.memory_space<hbm>>) target_semaphore(%arg10 : memref<!tpu.dma_semaphore, #tpu.memory_space<semaphore_mem>>)
      %add3A_308 = arith.constant 1 : i32
      %add3A_309 = arith.addi %add3A_235, %add3A_308 : i32
      %mul3A_310 = arith.constant 5 : i32
      %mul3A_311 = arith.muli %add3A_309, %mul3A_310 : i32
      %add3A_312 = arith.constant 0 : i32
      %add3A_313 = arith.addi %mul3A_311, %add3A_312 : i32
      %dma_wait3A_314 = arith.constant 0 : i32
      %dma_wait3A_315 = arith.constant 0 : i32
      %dma_wait3A_316 = tpu.memref_slice %arg7[%dma_wait3A_314, %dma_wait3A_315] : memref<640x64xf32, #tpu.memory_space<vmem>> -> memref<128x64xf32, #tpu.memory_space<vmem>>
      %dma_wait3A_317 = arith.constant 0 : i32
      %dma_wait3A_318 = tpu.memref_slice %arg5[%add3A_313, %dma_wait3A_317] : memref<200x128xi32, #tpu.memory_space<vmem>> -> memref<1x128xi32, #tpu.memory_space<vmem>>
      %dma_wait3A_319 = tpu.memref_squeeze %dma_wait3A_318 : memref<1x128xi32, #tpu.memory_space<vmem>> -> memref<128xi32, #tpu.memory_space<vmem>>
      %dma_wait3A_320 = arith.constant 0 : i32
      %dma_wait3A_321 = arith.constant 0 : i32
      %dma_wait3A_322 = tpu.memref_slice %arg3[%dma_wait3A_320, %dma_wait3A_321] : memref<100000x64xf32, #tpu.memory_space<hbm>> -> memref<100000x64xf32, #tpu.memory_space<hbm>>
      tpu.wait_indirect_dma semaphore(%arg9 : memref<!tpu.dma_semaphore, #tpu.memory_space<semaphore_mem>>) src(%dma_wait3A_322 : memref<100000x64xf32, #tpu.memory_space<hbm>>) dst(%dma_wait3A_316 : memref<128x64xf32, #tpu.memory_space<vmem>>)
      %mul3A_323 = arith.constant 5 : i32
      %mul3A_324 = arith.muli %add3A_309, %mul3A_323 : i32
      %add3A_325 = arith.constant 1 : i32
      %add3A_326 = arith.addi %mul3A_324, %add3A_325 : i32
      %dma_wait3A_327 = arith.constant 128 : i32
      %dma_wait3A_328 = arith.constant 0 : i32
      %dma_wait3A_329 = tpu.memref_slice %arg7[%dma_wait3A_327, %dma_wait3A_328] : memref<640x64xf32, #tpu.memory_space<vmem>> -> memref<128x64xf32, #tpu.memory_space<vmem>>
      %dma_wait3A_330 = arith.constant 0 : i32
      %dma_wait3A_331 = tpu.memref_slice %arg5[%add3A_326, %dma_wait3A_330] : memref<200x128xi32, #tpu.memory_space<vmem>> -> memref<1x128xi32, #tpu.memory_space<vmem>>
      %dma_wait3A_332 = tpu.memref_squeeze %dma_wait3A_331 : memref<1x128xi32, #tpu.memory_space<vmem>> -> memref<128xi32, #tpu.memory_space<vmem>>
      %dma_wait3A_333 = arith.constant 0 : i32
      %dma_wait3A_334 = arith.constant 0 : i32
      %dma_wait3A_335 = tpu.memref_slice %arg3[%dma_wait3A_333, %dma_wait3A_334] : memref<100000x64xf32, #tpu.memory_space<hbm>> -> memref<100000x64xf32, #tpu.memory_space<hbm>>
      tpu.wait_indirect_dma semaphore(%arg9 : memref<!tpu.dma_semaphore, #tpu.memory_space<semaphore_mem>>) src(%dma_wait3A_335 : memref<100000x64xf32, #tpu.memory_space<hbm>>) dst(%dma_wait3A_329 : memref<128x64xf32, #tpu.memory_space<vmem>>)
      %mul3A_336 = arith.constant 5 : i32
      %mul3A_337 = arith.muli %add3A_309, %mul3A_336 : i32
      %add3A_338 = arith.constant 2 : i32
      %add3A_339 = arith.addi %mul3A_337, %add3A_338 : i32
      %dma_wait3A_340 = arith.constant 256 : i32
      %dma_wait3A_341 = arith.constant 0 : i32
      %dma_wait3A_342 = tpu.memref_slice %arg7[%dma_wait3A_340, %dma_wait3A_341] : memref<640x64xf32, #tpu.memory_space<vmem>> -> memref<128x64xf32, #tpu.memory_space<vmem>>
      %dma_wait3A_343 = arith.constant 0 : i32
      %dma_wait3A_344 = tpu.memref_slice %arg5[%add3A_339, %dma_wait3A_343] : memref<200x128xi32, #tpu.memory_space<vmem>> -> memref<1x128xi32, #tpu.memory_space<vmem>>
      %dma_wait3A_345 = tpu.memref_squeeze %dma_wait3A_344 : memref<1x128xi32, #tpu.memory_space<vmem>> -> memref<128xi32, #tpu.memory_space<vmem>>
      %dma_wait3A_346 = arith.constant 0 : i32
      %dma_wait3A_347 = arith.constant 0 : i32
      %dma_wait3A_348 = tpu.memref_slice %arg3[%dma_wait3A_346, %dma_wait3A_347] : memref<100000x64xf32, #tpu.memory_space<hbm>> -> memref<100000x64xf32, #tpu.memory_space<hbm>>
      tpu.wait_indirect_dma semaphore(%arg9 : memref<!tpu.dma_semaphore, #tpu.memory_space<semaphore_mem>>) src(%dma_wait3A_348 : memref<100000x64xf32, #tpu.memory_space<hbm>>) dst(%dma_wait3A_342 : memref<128x64xf32, #tpu.memory_space<vmem>>)
      %mul3A_349 = arith.constant 5 : i32
      %mul3A_350 = arith.muli %add3A_309, %mul3A_349 : i32
      %add3A_351 = arith.constant 3 : i32
      %add3A_352 = arith.addi %mul3A_350, %add3A_351 : i32
      %dma_wait3A_353 = arith.constant 384 : i32
      %dma_wait3A_354 = arith.constant 0 : i32
      %dma_wait3A_355 = tpu.memref_slice %arg7[%dma_wait3A_353, %dma_wait3A_354] : memref<640x64xf32, #tpu.memory_space<vmem>> -> memref<128x64xf32, #tpu.memory_space<vmem>>
      %dma_wait3A_356 = arith.constant 0 : i32
      %dma_wait3A_357 = tpu.memref_slice %arg5[%add3A_352, %dma_wait3A_356] : memref<200x128xi32, #tpu.memory_space<vmem>> -> memref<1x128xi32, #tpu.memory_space<vmem>>
      %dma_wait3A_358 = tpu.memref_squeeze %dma_wait3A_357 : memref<1x128xi32, #tpu.memory_space<vmem>> -> memref<128xi32, #tpu.memory_space<vmem>>
      %dma_wait3A_359 = arith.constant 0 : i32
      %dma_wait3A_360 = arith.constant 0 : i32
      %dma_wait3A_361 = tpu.memref_slice %arg3[%dma_wait3A_359, %dma_wait3A_360] : memref<100000x64xf32, #tpu.memory_space<hbm>> -> memref<100000x64xf32, #tpu.memory_space<hbm>>
      tpu.wait_indirect_dma semaphore(%arg9 : memref<!tpu.dma_semaphore, #tpu.memory_space<semaphore_mem>>) src(%dma_wait3A_361 : memref<100000x64xf32, #tpu.memory_space<hbm>>) dst(%dma_wait3A_355 : memref<128x64xf32, #tpu.memory_space<vmem>>)
      %mul3A_362 = arith.constant 5 : i32
      %mul3A_363 = arith.muli %add3A_309, %mul3A_362 : i32
      %add3A_364 = arith.constant 4 : i32
      %add3A_365 = arith.addi %mul3A_363, %add3A_364 : i32
      %dma_wait3A_366 = arith.constant 512 : i32
      %dma_wait3A_367 = arith.constant 0 : i32
      %dma_wait3A_368 = tpu.memref_slice %arg7[%dma_wait3A_366, %dma_wait3A_367] : memref<640x64xf32, #tpu.memory_space<vmem>> -> memref<128x64xf32, #tpu.memory_space<vmem>>
      %dma_wait3A_369 = arith.constant 0 : i32
      %dma_wait3A_370 = tpu.memref_slice %arg5[%add3A_365, %dma_wait3A_369] : memref<200x128xi32, #tpu.memory_space<vmem>> -> memref<1x128xi32, #tpu.memory_space<vmem>>
      %dma_wait3A_371 = tpu.memref_squeeze %dma_wait3A_370 : memref<1x128xi32, #tpu.memory_space<vmem>> -> memref<128xi32, #tpu.memory_space<vmem>>
      %dma_wait3A_372 = arith.constant 0 : i32
      %dma_wait3A_373 = arith.constant 0 : i32
      %dma_wait3A_374 = tpu.memref_slice %arg3[%dma_wait3A_372, %dma_wait3A_373] : memref<100000x64xf32, #tpu.memory_space<hbm>> -> memref<100000x64xf32, #tpu.memory_space<hbm>>
      tpu.wait_indirect_dma semaphore(%arg9 : memref<!tpu.dma_semaphore, #tpu.memory_space<semaphore_mem>>) src(%dma_wait3A_374 : memref<100000x64xf32, #tpu.memory_space<hbm>>) dst(%dma_wait3A_368 : memref<128x64xf32, #tpu.memory_space<vmem>>)
      %add3A_375 = arith.constant 1 : i32
      %add3A_376 = arith.addi %add3A_235, %add3A_375 : i32
      %mul3A_377 = arith.constant 640 : i32
      %mul3A_378 = arith.muli %add3A_376, %mul3A_377 : i32
      %add3A_379 = arith.addi %mul3A_4, %mul3A_378 : i32
      %dma_start3A_380 = arith.constant 0 : i32
      %dma_start3A_381 = tpu.memref_slice %arg4[%add3A_379, %dma_start3A_380] : memref<819200x64xf32, #tpu.memory_space<hbm>> -> memref<640x64xf32, #tpu.memory_space<hbm>>
      %dma_start3A_382 = arith.constant 0 : i32
      %dma_start3A_383 = tpu.memref_slice %arg4[%add3A_379, %dma_start3A_382] : memref<819200x64xf32, #tpu.memory_space<hbm>> -> memref<640x64xf32, #tpu.memory_space<hbm>>
      tpu.enqueue_dma source(%arg7 : memref<640x64xf32, #tpu.memory_space<vmem>>) target(%dma_start3A_383 : memref<640x64xf32, #tpu.memory_space<hbm>>) target_semaphore(%arg11 : memref<!tpu.dma_semaphore, #tpu.memory_space<semaphore_mem>>)
      %mul3A_384 = arith.constant 640 : i32
      %mul3A_385 = arith.muli %add3A_235, %mul3A_384 : i32
      %add3A_386 = arith.addi %mul3A_4, %mul3A_385 : i32
      %dma_wait3A_387 = arith.constant 0 : i32
      %dma_wait3A_388 = tpu.memref_slice %arg4[%add3A_386, %dma_wait3A_387] : memref<819200x64xf32, #tpu.memory_space<hbm>> -> memref<640x64xf32, #tpu.memory_space<hbm>>
      %dma_wait3A_389 = arith.constant 0 : i32
      %dma_wait3A_390 = tpu.memref_slice %arg4[%add3A_386, %dma_wait3A_389] : memref<819200x64xf32, #tpu.memory_space<hbm>> -> memref<640x64xf32, #tpu.memory_space<hbm>>
      tpu.wait_dma2 semaphore(%arg10 : memref<!tpu.dma_semaphore, #tpu.memory_space<semaphore_mem>>) src(%arg6 : memref<640x64xf32, #tpu.memory_space<vmem>>) dst(%dma_wait3A_390 : memref<640x64xf32, #tpu.memory_space<hbm>>)
      %add3A_391 = arith.constant 2 : i32
      %add3A_392 = arith.addi %add3A_235, %add3A_391 : i32
      %mul3A_393 = arith.constant 5 : i32
      %mul3A_394 = arith.muli %add3A_392, %mul3A_393 : i32
      %add3A_395 = arith.constant 0 : i32
      %add3A_396 = arith.addi %mul3A_394, %add3A_395 : i32
      %dma_start3A_397 = arith.constant 0 : i32
      %dma_start3A_398 = arith.constant 0 : i32
      %dma_start3A_399 = tpu.memref_slice %arg6[%dma_start3A_397, %dma_start3A_398] : memref<640x64xf32, #tpu.memory_space<vmem>> -> memref<128x64xf32, #tpu.memory_space<vmem>>
      %dma_start3A_400 = arith.constant 0 : i32
      %dma_start3A_401 = tpu.memref_slice %arg5[%add3A_396, %dma_start3A_400] : memref<200x128xi32, #tpu.memory_space<vmem>> -> memref<1x128xi32, #tpu.memory_space<vmem>>
      %dma_start3A_402 = tpu.memref_squeeze %dma_start3A_401 : memref<1x128xi32, #tpu.memory_space<vmem>> -> memref<128xi32, #tpu.memory_space<vmem>>
      %dma_start3A_403 = arith.constant 0 : i32
      %dma_start3A_404 = arith.constant 0 : i32
      %dma_start3A_405 = tpu.memref_slice %arg3[%dma_start3A_403, %dma_start3A_404] : memref<100000x64xf32, #tpu.memory_space<hbm>> -> memref<100000x64xf32, #tpu.memory_space<hbm>>
      tpu.enqueue_indirect_dma source(%dma_start3A_405 : memref<100000x64xf32, #tpu.memory_space<hbm>>) target(%dma_start3A_399 : memref<128x64xf32, #tpu.memory_space<vmem>>) offsets(%dma_start3A_402 : memref<128xi32, #tpu.memory_space<vmem>>) semaphore(%arg8 : memref<!tpu.dma_semaphore, #tpu.memory_space<semaphore_mem>>)
      %mul3A_406 = arith.constant 5 : i32
      %mul3A_407 = arith.muli %add3A_392, %mul3A_406 : i32
      %add3A_408 = arith.constant 1 : i32
      %add3A_409 = arith.addi %mul3A_407, %add3A_408 : i32
      %dma_start3A_410 = arith.constant 128 : i32
      %dma_start3A_411 = arith.constant 0 : i32
      %dma_start3A_412 = tpu.memref_slice %arg6[%dma_start3A_410, %dma_start3A_411] : memref<640x64xf32, #tpu.memory_space<vmem>> -> memref<128x64xf32, #tpu.memory_space<vmem>>
      %dma_start3A_413 = arith.constant 0 : i32
      %dma_start3A_414 = tpu.memref_slice %arg5[%add3A_409, %dma_start3A_413] : memref<200x128xi32, #tpu.memory_space<vmem>> -> memref<1x128xi32, #tpu.memory_space<vmem>>
      %dma_start3A_415 = tpu.memref_squeeze %dma_start3A_414 : memref<1x128xi32, #tpu.memory_space<vmem>> -> memref<128xi32, #tpu.memory_space<vmem>>
      %dma_start3A_416 = arith.constant 0 : i32
      %dma_start3A_417 = arith.constant 0 : i32
      %dma_start3A_418 = tpu.memref_slice %arg3[%dma_start3A_416, %dma_start3A_417] : memref<100000x64xf32, #tpu.memory_space<hbm>> -> memref<100000x64xf32, #tpu.memory_space<hbm>>
      tpu.enqueue_indirect_dma source(%dma_start3A_418 : memref<100000x64xf32, #tpu.memory_space<hbm>>) target(%dma_start3A_412 : memref<128x64xf32, #tpu.memory_space<vmem>>) offsets(%dma_start3A_415 : memref<128xi32, #tpu.memory_space<vmem>>) semaphore(%arg8 : memref<!tpu.dma_semaphore, #tpu.memory_space<semaphore_mem>>)
      %mul3A_419 = arith.constant 5 : i32
      %mul3A_420 = arith.muli %add3A_392, %mul3A_419 : i32
      %add3A_421 = arith.constant 2 : i32
      %add3A_422 = arith.addi %mul3A_420, %add3A_421 : i32
      %dma_start3A_423 = arith.constant 256 : i32
      %dma_start3A_424 = arith.constant 0 : i32
      %dma_start3A_425 = tpu.memref_slice %arg6[%dma_start3A_423, %dma_start3A_424] : memref<640x64xf32, #tpu.memory_space<vmem>> -> memref<128x64xf32, #tpu.memory_space<vmem>>
      %dma_start3A_426 = arith.constant 0 : i32
      %dma_start3A_427 = tpu.memref_slice %arg5[%add3A_422, %dma_start3A_426] : memref<200x128xi32, #tpu.memory_space<vmem>> -> memref<1x128xi32, #tpu.memory_space<vmem>>
      %dma_start3A_428 = tpu.memref_squeeze %dma_start3A_427 : memref<1x128xi32, #tpu.memory_space<vmem>> -> memref<128xi32, #tpu.memory_space<vmem>>
      %dma_start3A_429 = arith.constant 0 : i32
      %dma_start3A_430 = arith.constant 0 : i32
      %dma_start3A_431 = tpu.memref_slice %arg3[%dma_start3A_429, %dma_start3A_430] : memref<100000x64xf32, #tpu.memory_space<hbm>> -> memref<100000x64xf32, #tpu.memory_space<hbm>>
      tpu.enqueue_indirect_dma source(%dma_start3A_431 : memref<100000x64xf32, #tpu.memory_space<hbm>>) target(%dma_start3A_425 : memref<128x64xf32, #tpu.memory_space<vmem>>) offsets(%dma_start3A_428 : memref<128xi32, #tpu.memory_space<vmem>>) semaphore(%arg8 : memref<!tpu.dma_semaphore, #tpu.memory_space<semaphore_mem>>)
      %mul3A_432 = arith.constant 5 : i32
      %mul3A_433 = arith.muli %add3A_392, %mul3A_432 : i32
      %add3A_434 = arith.constant 3 : i32
      %add3A_435 = arith.addi %mul3A_433, %add3A_434 : i32
      %dma_start3A_436 = arith.constant 384 : i32
      %dma_start3A_437 = arith.constant 0 : i32
      %dma_start3A_438 = tpu.memref_slice %arg6[%dma_start3A_436, %dma_start3A_437] : memref<640x64xf32, #tpu.memory_space<vmem>> -> memref<128x64xf32, #tpu.memory_space<vmem>>
      %dma_start3A_439 = arith.constant 0 : i32
      %dma_start3A_440 = tpu.memref_slice %arg5[%add3A_435, %dma_start3A_439] : memref<200x128xi32, #tpu.memory_space<vmem>> -> memref<1x128xi32, #tpu.memory_space<vmem>>
      %dma_start3A_441 = tpu.memref_squeeze %dma_start3A_440 : memref<1x128xi32, #tpu.memory_space<vmem>> -> memref<128xi32, #tpu.memory_space<vmem>>
      %dma_start3A_442 = arith.constant 0 : i32
      %dma_start3A_443 = arith.constant 0 : i32
      %dma_start3A_444 = tpu.memref_slice %arg3[%dma_start3A_442, %dma_start3A_443] : memref<100000x64xf32, #tpu.memory_space<hbm>> -> memref<100000x64xf32, #tpu.memory_space<hbm>>
      tpu.enqueue_indirect_dma source(%dma_start3A_444 : memref<100000x64xf32, #tpu.memory_space<hbm>>) target(%dma_start3A_438 : memref<128x64xf32, #tpu.memory_space<vmem>>) offsets(%dma_start3A_441 : memref<128xi32, #tpu.memory_space<vmem>>) semaphore(%arg8 : memref<!tpu.dma_semaphore, #tpu.memory_space<semaphore_mem>>)
      %mul3A_445 = arith.constant 5 : i32
      %mul3A_446 = arith.muli %add3A_392, %mul3A_445 : i32
      %add3A_447 = arith.constant 4 : i32
      %add3A_448 = arith.addi %mul3A_446, %add3A_447 : i32
      %dma_start3A_449 = arith.constant 512 : i32
      %dma_start3A_450 = arith.constant 0 : i32
      %dma_start3A_451 = tpu.memref_slice %arg6[%dma_start3A_449, %dma_start3A_450] : memref<640x64xf32, #tpu.memory_space<vmem>> -> memref<128x64xf32, #tpu.memory_space<vmem>>
      %dma_start3A_452 = arith.constant 0 : i32
      %dma_start3A_453 = tpu.memref_slice %arg5[%add3A_448, %dma_start3A_452] : memref<200x128xi32, #tpu.memory_space<vmem>> -> memref<1x128xi32, #tpu.memory_space<vmem>>
      %dma_start3A_454 = tpu.memref_squeeze %dma_start3A_453 : memref<1x128xi32, #tpu.memory_space<vmem>> -> memref<128xi32, #tpu.memory_space<vmem>>
      %dma_start3A_455 = arith.constant 0 : i32
      %dma_start3A_456 = arith.constant 0 : i32
      %dma_start3A_457 = tpu.memref_slice %arg3[%dma_start3A_455, %dma_start3A_456] : memref<100000x64xf32, #tpu.memory_space<hbm>> -> memref<100000x64xf32, #tpu.memory_space<hbm>>
      tpu.enqueue_indirect_dma source(%dma_start3A_457 : memref<100000x64xf32, #tpu.memory_space<hbm>>) target(%dma_start3A_451 : memref<128x64xf32, #tpu.memory_space<vmem>>) offsets(%dma_start3A_454 : memref<128xi32, #tpu.memory_space<vmem>>) semaphore(%arg8 : memref<!tpu.dma_semaphore, #tpu.memory_space<semaphore_mem>>)
      %add3A_458 = arith.constant 1 : i32
      %add3A_459 = arith.addi %add3A_235, %add3A_458 : i32
      %mul3A_460 = arith.constant 640 : i32
      %mul3A_461 = arith.muli %add3A_459, %mul3A_460 : i32
      %add3A_462 = arith.addi %mul3A_4, %mul3A_461 : i32
      %dma_wait3A_463 = arith.constant 0 : i32
      %dma_wait3A_464 = tpu.memref_slice %arg4[%add3A_462, %dma_wait3A_463] : memref<819200x64xf32, #tpu.memory_space<hbm>> -> memref<640x64xf32, #tpu.memory_space<hbm>>
      %dma_wait3A_465 = arith.constant 0 : i32
      %dma_wait3A_466 = tpu.memref_slice %arg4[%add3A_462, %dma_wait3A_465] : memref<819200x64xf32, #tpu.memory_space<hbm>> -> memref<640x64xf32, #tpu.memory_space<hbm>>
      tpu.wait_dma2 semaphore(%arg11 : memref<!tpu.dma_semaphore, #tpu.memory_space<semaphore_mem>>) src(%arg7 : memref<640x64xf32, #tpu.memory_space<vmem>>) dst(%dma_wait3A_466 : memref<640x64xf32, #tpu.memory_space<hbm>>)
      %add3A_467 = arith.constant 3 : i32
      %add3A_468 = arith.addi %add3A_235, %add3A_467 : i32
      %mul3A_469 = arith.constant 5 : i32
      %mul3A_470 = arith.muli %add3A_468, %mul3A_469 : i32
      %add3A_471 = arith.constant 0 : i32
      %add3A_472 = arith.addi %mul3A_470, %add3A_471 : i32
      %dma_start3A_473 = arith.constant 0 : i32
      %dma_start3A_474 = arith.constant 0 : i32
      %dma_start3A_475 = tpu.memref_slice %arg7[%dma_start3A_473, %dma_start3A_474] : memref<640x64xf32, #tpu.memory_space<vmem>> -> memref<128x64xf32, #tpu.memory_space<vmem>>
      %dma_start3A_476 = arith.constant 0 : i32
      %dma_start3A_477 = tpu.memref_slice %arg5[%add3A_472, %dma_start3A_476] : memref<200x128xi32, #tpu.memory_space<vmem>> -> memref<1x128xi32, #tpu.memory_space<vmem>>
      %dma_start3A_478 = tpu.memref_squeeze %dma_start3A_477 : memref<1x128xi32, #tpu.memory_space<vmem>> -> memref<128xi32, #tpu.memory_space<vmem>>
      %dma_start3A_479 = arith.constant 0 : i32
      %dma_start3A_480 = arith.constant 0 : i32
      %dma_start3A_481 = tpu.memref_slice %arg3[%dma_start3A_479, %dma_start3A_480] : memref<100000x64xf32, #tpu.memory_space<hbm>> -> memref<100000x64xf32, #tpu.memory_space<hbm>>
      tpu.enqueue_indirect_dma source(%dma_start3A_481 : memref<100000x64xf32, #tpu.memory_space<hbm>>) target(%dma_start3A_475 : memref<128x64xf32, #tpu.memory_space<vmem>>) offsets(%dma_start3A_478 : memref<128xi32, #tpu.memory_space<vmem>>) semaphore(%arg9 : memref<!tpu.dma_semaphore, #tpu.memory_space<semaphore_mem>>)
      %mul3A_482 = arith.constant 5 : i32
      %mul3A_483 = arith.muli %add3A_468, %mul3A_482 : i32
      %add3A_484 = arith.constant 1 : i32
      %add3A_485 = arith.addi %mul3A_483, %add3A_484 : i32
      %dma_start3A_486 = arith.constant 128 : i32
      %dma_start3A_487 = arith.constant 0 : i32
      %dma_start3A_488 = tpu.memref_slice %arg7[%dma_start3A_486, %dma_start3A_487] : memref<640x64xf32, #tpu.memory_space<vmem>> -> memref<128x64xf32, #tpu.memory_space<vmem>>
      %dma_start3A_489 = arith.constant 0 : i32
      %dma_start3A_490 = tpu.memref_slice %arg5[%add3A_485, %dma_start3A_489] : memref<200x128xi32, #tpu.memory_space<vmem>> -> memref<1x128xi32, #tpu.memory_space<vmem>>
      %dma_start3A_491 = tpu.memref_squeeze %dma_start3A_490 : memref<1x128xi32, #tpu.memory_space<vmem>> -> memref<128xi32, #tpu.memory_space<vmem>>
      %dma_start3A_492 = arith.constant 0 : i32
      %dma_start3A_493 = arith.constant 0 : i32
      %dma_start3A_494 = tpu.memref_slice %arg3[%dma_start3A_492, %dma_start3A_493] : memref<100000x64xf32, #tpu.memory_space<hbm>> -> memref<100000x64xf32, #tpu.memory_space<hbm>>
      tpu.enqueue_indirect_dma source(%dma_start3A_494 : memref<100000x64xf32, #tpu.memory_space<hbm>>) target(%dma_start3A_488 : memref<128x64xf32, #tpu.memory_space<vmem>>) offsets(%dma_start3A_491 : memref<128xi32, #tpu.memory_space<vmem>>) semaphore(%arg9 : memref<!tpu.dma_semaphore, #tpu.memory_space<semaphore_mem>>)
      %mul3A_495 = arith.constant 5 : i32
      %mul3A_496 = arith.muli %add3A_468, %mul3A_495 : i32
      %add3A_497 = arith.constant 2 : i32
      %add3A_498 = arith.addi %mul3A_496, %add3A_497 : i32
      %dma_start3A_499 = arith.constant 256 : i32
      %dma_start3A_500 = arith.constant 0 : i32
      %dma_start3A_501 = tpu.memref_slice %arg7[%dma_start3A_499, %dma_start3A_500] : memref<640x64xf32, #tpu.memory_space<vmem>> -> memref<128x64xf32, #tpu.memory_space<vmem>>
      %dma_start3A_502 = arith.constant 0 : i32
      %dma_start3A_503 = tpu.memref_slice %arg5[%add3A_498, %dma_start3A_502] : memref<200x128xi32, #tpu.memory_space<vmem>> -> memref<1x128xi32, #tpu.memory_space<vmem>>
      %dma_start3A_504 = tpu.memref_squeeze %dma_start3A_503 : memref<1x128xi32, #tpu.memory_space<vmem>> -> memref<128xi32, #tpu.memory_space<vmem>>
      %dma_start3A_505 = arith.constant 0 : i32
      %dma_start3A_506 = arith.constant 0 : i32
      %dma_start3A_507 = tpu.memref_slice %arg3[%dma_start3A_505, %dma_start3A_506] : memref<100000x64xf32, #tpu.memory_space<hbm>> -> memref<100000x64xf32, #tpu.memory_space<hbm>>
      tpu.enqueue_indirect_dma source(%dma_start3A_507 : memref<100000x64xf32, #tpu.memory_space<hbm>>) target(%dma_start3A_501 : memref<128x64xf32, #tpu.memory_space<vmem>>) offsets(%dma_start3A_504 : memref<128xi32, #tpu.memory_space<vmem>>) semaphore(%arg9 : memref<!tpu.dma_semaphore, #tpu.memory_space<semaphore_mem>>)
      %mul3A_508 = arith.constant 5 : i32
      %mul3A_509 = arith.muli %add3A_468, %mul3A_508 : i32
      %add3A_510 = arith.constant 3 : i32
      %add3A_511 = arith.addi %mul3A_509, %add3A_510 : i32
      %dma_start3A_512 = arith.constant 384 : i32
      %dma_start3A_513 = arith.constant 0 : i32
      %dma_start3A_514 = tpu.memref_slice %arg7[%dma_start3A_512, %dma_start3A_513] : memref<640x64xf32, #tpu.memory_space<vmem>> -> memref<128x64xf32, #tpu.memory_space<vmem>>
      %dma_start3A_515 = arith.constant 0 : i32
      %dma_start3A_516 = tpu.memref_slice %arg5[%add3A_511, %dma_start3A_515] : memref<200x128xi32, #tpu.memory_space<vmem>> -> memref<1x128xi32, #tpu.memory_space<vmem>>
      %dma_start3A_517 = tpu.memref_squeeze %dma_start3A_516 : memref<1x128xi32, #tpu.memory_space<vmem>> -> memref<128xi32, #tpu.memory_space<vmem>>
      %dma_start3A_518 = arith.constant 0 : i32
      %dma_start3A_519 = arith.constant 0 : i32
      %dma_start3A_520 = tpu.memref_slice %arg3[%dma_start3A_518, %dma_start3A_519] : memref<100000x64xf32, #tpu.memory_space<hbm>> -> memref<100000x64xf32, #tpu.memory_space<hbm>>
      tpu.enqueue_indirect_dma source(%dma_start3A_520 : memref<100000x64xf32, #tpu.memory_space<hbm>>) target(%dma_start3A_514 : memref<128x64xf32, #tpu.memory_space<vmem>>) offsets(%dma_start3A_517 : memref<128xi32, #tpu.memory_space<vmem>>) semaphore(%arg9 : memref<!tpu.dma_semaphore, #tpu.memory_space<semaphore_mem>>)
      %mul3A_521 = arith.constant 5 : i32
      %mul3A_522 = arith.muli %add3A_468, %mul3A_521 : i32
      %add3A_523 = arith.constant 4 : i32
      %add3A_524 = arith.addi %mul3A_522, %add3A_523 : i32
      %dma_start3A_525 = arith.constant 512 : i32
      %dma_start3A_526 = arith.constant 0 : i32
      %dma_start3A_527 = tpu.memref_slice %arg7[%dma_start3A_525, %dma_start3A_526] : memref<640x64xf32, #tpu.memory_space<vmem>> -> memref<128x64xf32, #tpu.memory_space<vmem>>
      %dma_start3A_528 = arith.constant 0 : i32
      %dma_start3A_529 = tpu.memref_slice %arg5[%add3A_524, %dma_start3A_528] : memref<200x128xi32, #tpu.memory_space<vmem>> -> memref<1x128xi32, #tpu.memory_space<vmem>>
      %dma_start3A_530 = tpu.memref_squeeze %dma_start3A_529 : memref<1x128xi32, #tpu.memory_space<vmem>> -> memref<128xi32, #tpu.memory_space<vmem>>
      %dma_start3A_531 = arith.constant 0 : i32
      %dma_start3A_532 = arith.constant 0 : i32
      %dma_start3A_533 = tpu.memref_slice %arg3[%dma_start3A_531, %dma_start3A_532] : memref<100000x64xf32, #tpu.memory_space<hbm>> -> memref<100000x64xf32, #tpu.memory_space<hbm>>
      tpu.enqueue_indirect_dma source(%dma_start3A_533 : memref<100000x64xf32, #tpu.memory_space<hbm>>) target(%dma_start3A_527 : memref<128x64xf32, #tpu.memory_space<vmem>>) offsets(%dma_start3A_530 : memref<128xi32, #tpu.memory_space<vmem>>) semaphore(%arg9 : memref<!tpu.dma_semaphore, #tpu.memory_space<semaphore_mem>>)
    }
    %scan3A_107 = arith.constant 19 : i32
    %dma_wait3A = arith.constant 190 : i32
    %dma_wait3A_108 = arith.constant 0 : i32
    %dma_wait3A_109 = arith.constant 0 : i32
    %dma_wait3A_110 = tpu.memref_slice %arg6[%dma_wait3A_108, %dma_wait3A_109] : memref<640x64xf32, #tpu.memory_space<vmem>> -> memref<128x64xf32, #tpu.memory_space<vmem>>
    %dma_wait3A_111 = arith.constant 0 : i32
    %dma_wait3A_112 = tpu.memref_slice %arg5[%dma_wait3A, %dma_wait3A_111] : memref<200x128xi32, #tpu.memory_space<vmem>> -> memref<1x128xi32, #tpu.memory_space<vmem>>
    %dma_wait3A_113 = tpu.memref_squeeze %dma_wait3A_112 : memref<1x128xi32, #tpu.memory_space<vmem>> -> memref<128xi32, #tpu.memory_space<vmem>>
    %dma_wait3A_114 = arith.constant 0 : i32
    %dma_wait3A_115 = arith.constant 0 : i32
    %dma_wait3A_116 = tpu.memref_slice %arg3[%dma_wait3A_114, %dma_wait3A_115] : memref<100000x64xf32, #tpu.memory_space<hbm>> -> memref<100000x64xf32, #tpu.memory_space<hbm>>
    tpu.wait_indirect_dma semaphore(%arg8 : memref<!tpu.dma_semaphore, #tpu.memory_space<semaphore_mem>>) src(%dma_wait3A_116 : memref<100000x64xf32, #tpu.memory_space<hbm>>) dst(%dma_wait3A_110 : memref<128x64xf32, #tpu.memory_space<vmem>>)
    %dma_wait3A_117 = arith.constant 191 : i32
    %dma_wait3A_118 = arith.constant 128 : i32
    %dma_wait3A_119 = arith.constant 0 : i32
    %dma_wait3A_120 = tpu.memref_slice %arg6[%dma_wait3A_118, %dma_wait3A_119] : memref<640x64xf32, #tpu.memory_space<vmem>> -> memref<128x64xf32, #tpu.memory_space<vmem>>
    %dma_wait3A_121 = arith.constant 0 : i32
    %dma_wait3A_122 = tpu.memref_slice %arg5[%dma_wait3A_117, %dma_wait3A_121] : memref<200x128xi32, #tpu.memory_space<vmem>> -> memref<1x128xi32, #tpu.memory_space<vmem>>
    %dma_wait3A_123 = tpu.memref_squeeze %dma_wait3A_122 : memref<1x128xi32, #tpu.memory_space<vmem>> -> memref<128xi32, #tpu.memory_space<vmem>>
    %dma_wait3A_124 = arith.constant 0 : i32
    %dma_wait3A_125 = arith.constant 0 : i32
    %dma_wait3A_126 = tpu.memref_slice %arg3[%dma_wait3A_124, %dma_wait3A_125] : memref<100000x64xf32, #tpu.memory_space<hbm>> -> memref<100000x64xf32, #tpu.memory_space<hbm>>
    tpu.wait_indirect_dma semaphore(%arg8 : memref<!tpu.dma_semaphore, #tpu.memory_space<semaphore_mem>>) src(%dma_wait3A_126 : memref<100000x64xf32, #tpu.memory_space<hbm>>) dst(%dma_wait3A_120 : memref<128x64xf32, #tpu.memory_space<vmem>>)
    %dma_wait3A_127 = arith.constant 192 : i32
    %dma_wait3A_128 = arith.constant 256 : i32
    %dma_wait3A_129 = arith.constant 0 : i32
    %dma_wait3A_130 = tpu.memref_slice %arg6[%dma_wait3A_128, %dma_wait3A_129] : memref<640x64xf32, #tpu.memory_space<vmem>> -> memref<128x64xf32, #tpu.memory_space<vmem>>
    %dma_wait3A_131 = arith.constant 0 : i32
    %dma_wait3A_132 = tpu.memref_slice %arg5[%dma_wait3A_127, %dma_wait3A_131] : memref<200x128xi32, #tpu.memory_space<vmem>> -> memref<1x128xi32, #tpu.memory_space<vmem>>
    %dma_wait3A_133 = tpu.memref_squeeze %dma_wait3A_132 : memref<1x128xi32, #tpu.memory_space<vmem>> -> memref<128xi32, #tpu.memory_space<vmem>>
    %dma_wait3A_134 = arith.constant 0 : i32
    %dma_wait3A_135 = arith.constant 0 : i32
    %dma_wait3A_136 = tpu.memref_slice %arg3[%dma_wait3A_134, %dma_wait3A_135] : memref<100000x64xf32, #tpu.memory_space<hbm>> -> memref<100000x64xf32, #tpu.memory_space<hbm>>
    tpu.wait_indirect_dma semaphore(%arg8 : memref<!tpu.dma_semaphore, #tpu.memory_space<semaphore_mem>>) src(%dma_wait3A_136 : memref<100000x64xf32, #tpu.memory_space<hbm>>) dst(%dma_wait3A_130 : memref<128x64xf32, #tpu.memory_space<vmem>>)
    %dma_wait3A_137 = arith.constant 193 : i32
    %dma_wait3A_138 = arith.constant 384 : i32
    %dma_wait3A_139 = arith.constant 0 : i32
    %dma_wait3A_140 = tpu.memref_slice %arg6[%dma_wait3A_138, %dma_wait3A_139] : memref<640x64xf32, #tpu.memory_space<vmem>> -> memref<128x64xf32, #tpu.memory_space<vmem>>
    %dma_wait3A_141 = arith.constant 0 : i32
    %dma_wait3A_142 = tpu.memref_slice %arg5[%dma_wait3A_137, %dma_wait3A_141] : memref<200x128xi32, #tpu.memory_space<vmem>> -> memref<1x128xi32, #tpu.memory_space<vmem>>
    %dma_wait3A_143 = tpu.memref_squeeze %dma_wait3A_142 : memref<1x128xi32, #tpu.memory_space<vmem>> -> memref<128xi32, #tpu.memory_space<vmem>>
    %dma_wait3A_144 = arith.constant 0 : i32
    %dma_wait3A_145 = arith.constant 0 : i32
    %dma_wait3A_146 = tpu.memref_slice %arg3[%dma_wait3A_144, %dma_wait3A_145] : memref<100000x64xf32, #tpu.memory_space<hbm>> -> memref<100000x64xf32, #tpu.memory_space<hbm>>
    tpu.wait_indirect_dma semaphore(%arg8 : memref<!tpu.dma_semaphore, #tpu.memory_space<semaphore_mem>>) src(%dma_wait3A_146 : memref<100000x64xf32, #tpu.memory_space<hbm>>) dst(%dma_wait3A_140 : memref<128x64xf32, #tpu.memory_space<vmem>>)
    %dma_wait3A_147 = arith.constant 194 : i32
    %dma_wait3A_148 = arith.constant 512 : i32
    %dma_wait3A_149 = arith.constant 0 : i32
    %dma_wait3A_150 = tpu.memref_slice %arg6[%dma_wait3A_148, %dma_wait3A_149] : memref<640x64xf32, #tpu.memory_space<vmem>> -> memref<128x64xf32, #tpu.memory_space<vmem>>
    %dma_wait3A_151 = arith.constant 0 : i32
    %dma_wait3A_152 = tpu.memref_slice %arg5[%dma_wait3A_147, %dma_wait3A_151] : memref<200x128xi32, #tpu.memory_space<vmem>> -> memref<1x128xi32, #tpu.memory_space<vmem>>
    %dma_wait3A_153 = tpu.memref_squeeze %dma_wait3A_152 : memref<1x128xi32, #tpu.memory_space<vmem>> -> memref<128xi32, #tpu.memory_space<vmem>>
    %dma_wait3A_154 = arith.constant 0 : i32
    %dma_wait3A_155 = arith.constant 0 : i32
    %dma_wait3A_156 = tpu.memref_slice %arg3[%dma_wait3A_154, %dma_wait3A_155] : memref<100000x64xf32, #tpu.memory_space<hbm>> -> memref<100000x64xf32, #tpu.memory_space<hbm>>
    tpu.wait_indirect_dma semaphore(%arg8 : memref<!tpu.dma_semaphore, #tpu.memory_space<semaphore_mem>>) src(%dma_wait3A_156 : memref<100000x64xf32, #tpu.memory_space<hbm>>) dst(%dma_wait3A_150 : memref<128x64xf32, #tpu.memory_space<vmem>>)
    %add3A_157 = arith.constant 24320 : i32
    %add3A_158 = arith.addi %mul3A_4, %add3A_157 : i32
    %dma_start3A_159 = arith.constant 0 : i32
    %dma_start3A_160 = tpu.memref_slice %arg4[%add3A_158, %dma_start3A_159] : memref<819200x64xf32, #tpu.memory_space<hbm>> -> memref<640x64xf32, #tpu.memory_space<hbm>>
    %dma_start3A_161 = arith.constant 0 : i32
    %dma_start3A_162 = tpu.memref_slice %arg4[%add3A_158, %dma_start3A_161] : memref<819200x64xf32, #tpu.memory_space<hbm>> -> memref<640x64xf32, #tpu.memory_space<hbm>>
    tpu.enqueue_dma source(%arg6 : memref<640x64xf32, #tpu.memory_space<vmem>>) target(%dma_start3A_162 : memref<640x64xf32, #tpu.memory_space<hbm>>) target_semaphore(%arg10 : memref<!tpu.dma_semaphore, #tpu.memory_space<semaphore_mem>>)
    %dma_wait3A_163 = arith.constant 195 : i32
    %dma_wait3A_164 = arith.constant 0 : i32
    %dma_wait3A_165 = arith.constant 0 : i32
    %dma_wait3A_166 = tpu.memref_slice %arg7[%dma_wait3A_164, %dma_wait3A_165] : memref<640x64xf32, #tpu.memory_space<vmem>> -> memref<128x64xf32, #tpu.memory_space<vmem>>
    %dma_wait3A_167 = arith.constant 0 : i32
    %dma_wait3A_168 = tpu.memref_slice %arg5[%dma_wait3A_163, %dma_wait3A_167] : memref<200x128xi32, #tpu.memory_space<vmem>> -> memref<1x128xi32, #tpu.memory_space<vmem>>
    %dma_wait3A_169 = tpu.memref_squeeze %dma_wait3A_168 : memref<1x128xi32, #tpu.memory_space<vmem>> -> memref<128xi32, #tpu.memory_space<vmem>>
    %dma_wait3A_170 = arith.constant 0 : i32
    %dma_wait3A_171 = arith.constant 0 : i32
    %dma_wait3A_172 = tpu.memref_slice %arg3[%dma_wait3A_170, %dma_wait3A_171] : memref<100000x64xf32, #tpu.memory_space<hbm>> -> memref<100000x64xf32, #tpu.memory_space<hbm>>
    tpu.wait_indirect_dma semaphore(%arg9 : memref<!tpu.dma_semaphore, #tpu.memory_space<semaphore_mem>>) src(%dma_wait3A_172 : memref<100000x64xf32, #tpu.memory_space<hbm>>) dst(%dma_wait3A_166 : memref<128x64xf32, #tpu.memory_space<vmem>>)
    %dma_wait3A_173 = arith.constant 196 : i32
    %dma_wait3A_174 = arith.constant 128 : i32
    %dma_wait3A_175 = arith.constant 0 : i32
    %dma_wait3A_176 = tpu.memref_slice %arg7[%dma_wait3A_174, %dma_wait3A_175] : memref<640x64xf32, #tpu.memory_space<vmem>> -> memref<128x64xf32, #tpu.memory_space<vmem>>
    %dma_wait3A_177 = arith.constant 0 : i32
    %dma_wait3A_178 = tpu.memref_slice %arg5[%dma_wait3A_173, %dma_wait3A_177] : memref<200x128xi32, #tpu.memory_space<vmem>> -> memref<1x128xi32, #tpu.memory_space<vmem>>
    %dma_wait3A_179 = tpu.memref_squeeze %dma_wait3A_178 : memref<1x128xi32, #tpu.memory_space<vmem>> -> memref<128xi32, #tpu.memory_space<vmem>>
    %dma_wait3A_180 = arith.constant 0 : i32
    %dma_wait3A_181 = arith.constant 0 : i32
    %dma_wait3A_182 = tpu.memref_slice %arg3[%dma_wait3A_180, %dma_wait3A_181] : memref<100000x64xf32, #tpu.memory_space<hbm>> -> memref<100000x64xf32, #tpu.memory_space<hbm>>
    tpu.wait_indirect_dma semaphore(%arg9 : memref<!tpu.dma_semaphore, #tpu.memory_space<semaphore_mem>>) src(%dma_wait3A_182 : memref<100000x64xf32, #tpu.memory_space<hbm>>) dst(%dma_wait3A_176 : memref<128x64xf32, #tpu.memory_space<vmem>>)
    %dma_wait3A_183 = arith.constant 197 : i32
    %dma_wait3A_184 = arith.constant 256 : i32
    %dma_wait3A_185 = arith.constant 0 : i32
    %dma_wait3A_186 = tpu.memref_slice %arg7[%dma_wait3A_184, %dma_wait3A_185] : memref<640x64xf32, #tpu.memory_space<vmem>> -> memref<128x64xf32, #tpu.memory_space<vmem>>
    %dma_wait3A_187 = arith.constant 0 : i32
    %dma_wait3A_188 = tpu.memref_slice %arg5[%dma_wait3A_183, %dma_wait3A_187] : memref<200x128xi32, #tpu.memory_space<vmem>> -> memref<1x128xi32, #tpu.memory_space<vmem>>
    %dma_wait3A_189 = tpu.memref_squeeze %dma_wait3A_188 : memref<1x128xi32, #tpu.memory_space<vmem>> -> memref<128xi32, #tpu.memory_space<vmem>>
    %dma_wait3A_190 = arith.constant 0 : i32
    %dma_wait3A_191 = arith.constant 0 : i32
    %dma_wait3A_192 = tpu.memref_slice %arg3[%dma_wait3A_190, %dma_wait3A_191] : memref<100000x64xf32, #tpu.memory_space<hbm>> -> memref<100000x64xf32, #tpu.memory_space<hbm>>
    tpu.wait_indirect_dma semaphore(%arg9 : memref<!tpu.dma_semaphore, #tpu.memory_space<semaphore_mem>>) src(%dma_wait3A_192 : memref<100000x64xf32, #tpu.memory_space<hbm>>) dst(%dma_wait3A_186 : memref<128x64xf32, #tpu.memory_space<vmem>>)
    %dma_wait3A_193 = arith.constant 198 : i32
    %dma_wait3A_194 = arith.constant 384 : i32
    %dma_wait3A_195 = arith.constant 0 : i32
    %dma_wait3A_196 = tpu.memref_slice %arg7[%dma_wait3A_194, %dma_wait3A_195] : memref<640x64xf32, #tpu.memory_space<vmem>> -> memref<128x64xf32, #tpu.memory_space<vmem>>
    %dma_wait3A_197 = arith.constant 0 : i32
    %dma_wait3A_198 = tpu.memref_slice %arg5[%dma_wait3A_193, %dma_wait3A_197] : memref<200x128xi32, #tpu.memory_space<vmem>> -> memref<1x128xi32, #tpu.memory_space<vmem>>
    %dma_wait3A_199 = tpu.memref_squeeze %dma_wait3A_198 : memref<1x128xi32, #tpu.memory_space<vmem>> -> memref<128xi32, #tpu.memory_space<vmem>>
    %dma_wait3A_200 = arith.constant 0 : i32
    %dma_wait3A_201 = arith.constant 0 : i32
    %dma_wait3A_202 = tpu.memref_slice %arg3[%dma_wait3A_200, %dma_wait3A_201] : memref<100000x64xf32, #tpu.memory_space<hbm>> -> memref<100000x64xf32, #tpu.memory_space<hbm>>
    tpu.wait_indirect_dma semaphore(%arg9 : memref<!tpu.dma_semaphore, #tpu.memory_space<semaphore_mem>>) src(%dma_wait3A_202 : memref<100000x64xf32, #tpu.memory_space<hbm>>) dst(%dma_wait3A_196 : memref<128x64xf32, #tpu.memory_space<vmem>>)
    %dma_wait3A_203 = arith.constant 199 : i32
    %dma_wait3A_204 = arith.constant 512 : i32
    %dma_wait3A_205 = arith.constant 0 : i32
    %dma_wait3A_206 = tpu.memref_slice %arg7[%dma_wait3A_204, %dma_wait3A_205] : memref<640x64xf32, #tpu.memory_space<vmem>> -> memref<128x64xf32, #tpu.memory_space<vmem>>
    %dma_wait3A_207 = arith.constant 0 : i32
    %dma_wait3A_208 = tpu.memref_slice %arg5[%dma_wait3A_203, %dma_wait3A_207] : memref<200x128xi32, #tpu.memory_space<vmem>> -> memref<1x128xi32, #tpu.memory_space<vmem>>
    %dma_wait3A_209 = tpu.memref_squeeze %dma_wait3A_208 : memref<1x128xi32, #tpu.memory_space<vmem>> -> memref<128xi32, #tpu.memory_space<vmem>>
    %dma_wait3A_210 = arith.constant 0 : i32
    %dma_wait3A_211 = arith.constant 0 : i32
    %dma_wait3A_212 = tpu.memref_slice %arg3[%dma_wait3A_210, %dma_wait3A_211] : memref<100000x64xf32, #tpu.memory_space<hbm>> -> memref<100000x64xf32, #tpu.memory_space<hbm>>
    tpu.wait_indirect_dma semaphore(%arg9 : memref<!tpu.dma_semaphore, #tpu.memory_space<semaphore_mem>>) src(%dma_wait3A_212 : memref<100000x64xf32, #tpu.memory_space<hbm>>) dst(%dma_wait3A_206 : memref<128x64xf32, #tpu.memory_space<vmem>>)
    %add3A_213 = arith.constant 24960 : i32
    %add3A_214 = arith.addi %mul3A_4, %add3A_213 : i32
    %dma_start3A_215 = arith.constant 0 : i32
    %dma_start3A_216 = tpu.memref_slice %arg4[%add3A_214, %dma_start3A_215] : memref<819200x64xf32, #tpu.memory_space<hbm>> -> memref<640x64xf32, #tpu.memory_space<hbm>>
    %dma_start3A_217 = arith.constant 0 : i32
    %dma_start3A_218 = tpu.memref_slice %arg4[%add3A_214, %dma_start3A_217] : memref<819200x64xf32, #tpu.memory_space<hbm>> -> memref<640x64xf32, #tpu.memory_space<hbm>>
    tpu.enqueue_dma source(%arg7 : memref<640x64xf32, #tpu.memory_space<vmem>>) target(%dma_start3A_218 : memref<640x64xf32, #tpu.memory_space<hbm>>) target_semaphore(%arg11 : memref<!tpu.dma_semaphore, #tpu.memory_space<semaphore_mem>>)
    %add3A_219 = arith.constant 24320 : i32
    %add3A_220 = arith.addi %mul3A_4, %add3A_219 : i32
    %dma_wait3A_221 = arith.constant 0 : i32
    %dma_wait3A_222 = tpu.memref_slice %arg4[%add3A_220, %dma_wait3A_221] : memref<819200x64xf32, #tpu.memory_space<hbm>> -> memref<640x64xf32, #tpu.memory_space<hbm>>
    %dma_wait3A_223 = arith.constant 0 : i32
    %dma_wait3A_224 = tpu.memref_slice %arg4[%add3A_220, %dma_wait3A_223] : memref<819200x64xf32, #tpu.memory_space<hbm>> -> memref<640x64xf32, #tpu.memory_space<hbm>>
    tpu.wait_dma2 semaphore(%arg10 : memref<!tpu.dma_semaphore, #tpu.memory_space<semaphore_mem>>) src(%arg6 : memref<640x64xf32, #tpu.memory_space<vmem>>) dst(%dma_wait3A_224 : memref<640x64xf32, #tpu.memory_space<hbm>>)
    %add3A_225 = arith.constant 24960 : i32
    %add3A_226 = arith.addi %mul3A_4, %add3A_225 : i32
    %dma_wait3A_227 = arith.constant 0 : i32
    %dma_wait3A_228 = tpu.memref_slice %arg4[%add3A_226, %dma_wait3A_227] : memref<819200x64xf32, #tpu.memory_space<hbm>> -> memref<640x64xf32, #tpu.memory_space<hbm>>
    %dma_wait3A_229 = arith.constant 0 : i32
    %dma_wait3A_230 = tpu.memref_slice %arg4[%add3A_226, %dma_wait3A_229] : memref<819200x64xf32, #tpu.memory_space<hbm>> -> memref<640x64xf32, #tpu.memory_space<hbm>>
    tpu.wait_dma2 semaphore(%arg11 : memref<!tpu.dma_semaphore, #tpu.memory_space<semaphore_mem>>) src(%arg7 : memref<640x64xf32, #tpu.memory_space<vmem>>) dst(%dma_wait3A_230 : memref<640x64xf32, #tpu.memory_space<hbm>>)
    return
  }
}

</mosaic_0001>

<sc_bundles>
// kernel: kernel.3.cloned.1.call-start
scs
__scs_entry_jumppad:
0x0: {  	(pc) =	sbr.rel $0x88, $3  }
0x1: {  	(tag) =	ssettag $0x0;
	lr =	simm.s32 $0x1  }
0x2: {  	[smem:$0x3F9F] =	sst lr;
	_ =	strace $0xD0000000  }
0x3: {  	_ = 	snop  }
0x4: {  	_ = 	snop  }
0x5: {  	_ = 	snop  }
0x6: {  	_ = 	snop  }
0x7: {  	_ = 	snop  }
__scs_overlays_trampoline_lowered:
0x8: {  	[smem:$0x3FAE] =	sst s0  }
0x9: {  	[smem:$0x3FAF] =	sst s1  }
0xa: {  	[smem:$0x3FB0] =	sst s2  }
0xb: {  	[smem:$0x3FB1] =	sst s3  }
0xc: {  	[smem:$0x3FB2] =	sst s4  }
0xd: {  	[smem:$0x3FB3] =	sst s5  }
0xe: {  	[smem:$0x3FB4] =	sst s6  }
0xf: {  	[smem:$0x3FB5] =	sst s7  }
0x10: {  	[smem:$0x3FB6] =	sst s8  }
0x11: {  	[smem:$0x3FB7] =	sst s9;
	s0 =	simm.s32 @!p0 $0x0  }
0x12: {  	s1 =	sld [smem:$0x3F9D];
	s0 =	simm.s32 @p0 $0x1  }
0x13: {  	[smem:$0x3FB8] =	sst s0;
	s0 =	simm.s32 @!p1 $0x0  }
0x14: {  	s2 =	sld [smem:$0x3F9C];
	s0 =	simm.s32 @p1 $0x1  }
0x15: {  	[smem:$0x3FB9] =	sst s0;
	s0 =	simm.s32 @!p2 $0x0  }
0x16: {  	s3 =	sld [smem:$0x3FDB];
	s0 =	simm.s32 @p2 $0x1  }
0x17: {  	s4 =	simm.s32 $0x1BF5;
	[smem:$0x3FBB] =	sst s0  }
0x18: {  	s0 =	sld [smem:$0x3F9E];
	_ =	swait.ge [sflag:s4], $0x0  }
0x19: {  	s7 =	sld [smem:$0x3F9F]  }
0x1a: {  	s8 =	sadd.s32 $0xFFFFE003, lr  }
0x1b: {  	s9 =	sadd.s32 $0xFFFFFEF7, lr;
	s5 =	simm.s32 $0xFFFFFFFF;
	p2 =	slt.u32 s8, $0xFFFFF086  }
0x1c: {  	p1 =	slt.u32 s9, $0xF7A;
	s5 =	simm.s32 @!p2 $0x0  }
0x1d: {  	s5 =	simm.s32 @p1 $0x1;
	p0 =	seq.s32 s7, s2  }
0x1e: {  	s7 =	smul.u32 @!p0 $0xF7A, s2;
	p2 =	seq.s32 @!p0 s5, $0x0  }
0x1f: {  	s9 =	smul.u32 $0xF7A, s1;
	s8 =	simm.s32 @!p0 $0x1BF5;
	p2 =	por !p2, p0  }
0x20: {  	[sflag:s8] =	ssyncset.s32 @!p0 $0xFFFFF086;
	s6 =	sadd.s32 @!p0 s3, s7;
	s7 =	simm.s32 @!p0 $0x108  }
0x21: {  	s3 =	sadd.s32 s3, s9;
	s6 =	sadd.s32 @!p0 $0x88, s6;
	s7 =	simm.s32 @p2 $0x1082  }
0x22: {  	[simem:s7], [sflag:s8] =	dma.local @!p0 [hbm:s6], $0xF7A  }
0x23: {  	s9 =	sor.u32 $0xD0000000, s2;
	s6 =	simm.s32 $0x108;
	_ =	swait.ge @!p0 [sflag:s8], $0x0  }
0x24: {  	s3 =	sadd.s32 $0x88, s3;
	s6 =	simm.s32 @!p1 $0x1082;
	[sflag:s4] =	ssyncset.s32 $0xFFFFF086  }
0x25: {  	[simem:s6], [sflag:s4] =	dma.local [hbm:s3], $0xF7A  }
0x26: {  	[smem:$0x3F9F] =	sst s1;
	(tag) =	ssettag s2;
	_ =	strace s9  }
0x27: {  	s1 =	sld [smem:$0x3FAF]  }
0x28: {  	s2 =	sld [smem:$0x3FB0]  }
0x29: {  	s4 =	sld [smem:$0x3FB2]  }
0x2a: {  	p0 =	seq.s32 s5, $0x0;
	s5 =	sld [smem:$0x3FB3]  }
0x2b: {  	s6 =	sld [smem:$0x3FB4]  }
0x2c: {  	s7 =	sld [smem:$0x3FB5]  }
0x2d: {  	s3 =	simm.s32 $0x108;
	s8 =	sld [smem:$0x3FB6]  }
0x2e: {  	s3 =	simm.s32 @!p0 $0x1082;
	s9 =	sld [smem:$0x3FB7]  }
0x2f: {  	lr =	sadd.s32 s0, s3;
	s0 =	sld [smem:$0x3FAE]  }
0x30: {  	s3 =	sld [smem:$0x3FB1]  }
0x31: {  	[smem:$0x3FBA] =	sst s10  }
0x32: {  	s10 =	sld [smem:$0x3FB8];
	_ =	sdelay $0x3  }
0x33: {  	p0 =	seq.s32 s10, $0x1;
	s10 =	sld [smem:$0x3FBA];
	_ =	sdelay $0x3  }
0x34: {  	[smem:$0x3FBA] =	sst s10  }
0x35: {  	s10 =	sld [smem:$0x3FB9];
	_ =	sdelay $0x3  }
0x36: {  	p1 =	seq.s32 s10, $0x1;
	s10 =	sld [smem:$0x3FBA];
	_ =	sdelay $0x3  }
0x37: {  	[smem:$0x3FBA] =	sst s10  }
0x38: {  	s10 =	sld [smem:$0x3FBB]  }
0x39: {  	_ = 	snop;
	(pc) =	sbr.ind lr, $3  }
0x3a: {  	_ = 	snop  }
0x3b: {  	_ = 	snop  }
0x3c: {  	p2 =	seq.s32 s10, $0x1;
	s10 =	sld [smem:$0x3FBA]  }
0x3d: {  	_ =	shalt  }
0x3e: {  	_ =	shalt  }
0x3f: {  	_ =	shalt  }
0x40: {  	_ =	shalt  }
0x41: {  	_ =	shalt  }
0x42: {  	_ =	shalt  }
0x43: {  	_ =	shalt  }
0x44: {  	_ =	shalt  }
0x45: {  	_ =	shalt  }
0x46: {  	_ =	shalt  }
0x47: {  	_ =	shalt  }
0x48: {  	_ =	shalt  }
0x49: {  	_ =	shalt  }
0x4a: {  	_ =	shalt  }
0x4b: {  	_ =	shalt  }
0x4c: {  	_ =	shalt  }
0x4d: {  	_ =	shalt  }
0x4e: {  	_ =	shalt  }
0x4f: {  	_ =	shalt  }
0x50: {  	_ =	shalt  }
0x51: {  	_ =	shalt  }
0x52: {  	_ =	shalt  }
0x53: {  	_ =	shalt  }
0x54: {  	_ =	shalt  }
0x55: {  	_ =	shalt  }
0x56: {  	_ =	shalt  }
0x57: {  	_ =	shalt  }
0x58: {  	_ =	shalt  }
0x59: {  	_ =	shalt  }
0x5a: {  	_ =	shalt  }
0x5b: {  	_ =	shalt  }
0x5c: {  	_ =	shalt  }
0x5d: {  	_ =	shalt  }
0x5e: {  	_ =	shalt  }
0x5f: {  	_ =	shalt  }
0x60: {  	_ =	shalt  }
0x61: {  	_ =	shalt  }
0x62: {  	_ =	shalt  }
0x63: {  	_ =	shalt  }
0x64: {  	_ =	shalt  }
0x65: {  	_ =	shalt  }
0x66: {  	_ =	shalt  }
0x67: {  	_ =	shalt  }
0x68: {  	_ =	shalt  }
0x69: {  	_ =	shalt  }
0x6a: {  	_ =	shalt  }
0x6b: {  	_ =	shalt  }
0x6c: {  	_ =	shalt  }
0x6d: {  	_ =	shalt  }
0x6e: {  	_ =	shalt  }
0x6f: {  	_ =	shalt  }
0x70: {  	_ =	shalt  }
0x71: {  	_ =	shalt  }
0x72: {  	_ =	shalt  }
0x73: {  	_ =	shalt  }
0x74: {  	_ =	shalt  }
0x75: {  	_ =	shalt  }
0x76: {  	_ =	shalt  }
0x77: {  	_ =	shalt  }
0x78: {  	_ =	shalt  }
0x79: {  	_ =	shalt  }
0x7a: {  	_ =	shalt  }
0x7b: {  	_ =	shalt  }
0x7c: {  	_ =	shalt  }
0x7d: {  	_ =	shalt  }
0x7e: {  	_ =	shalt  }
0x7f: {  	_ =	shalt  }
0x80: {  	_ =	shalt  }
0x81: {  	_ =	shalt  }
0x82: {  	_ =	shalt  }
0x83: {  	_ =	shalt  }
0x84: {  	_ =	shalt  }
0x85: {  	_ =	shalt  }
0x86: {  	_ =	shalt  }
0x87: {  	_ =	shalt  }
.Lfunc_end0:
.L_simem_size_0:
called_computation.1_lowered:
.L_overlay_start_0:
0x88: {  	s2 =	sld [smem:$0x3FD9]  }
0x89: {  	s3 =	sld [smem:$0x3FFE];
	_ =	sdelay $0x1  }
0x8a: {  	s1 =	srdreg.scid  }
0x8b: {  	s0 =	sand.u32 $0x1, s1  }
0x8c: {  	s17 =	sshll.u32 s0, $0xA;
	s2 =	sadd.s32 s3, s2  }
0x8d: {  	s2 =	sadd.s32 s2, s17  }
0x8e: {  	[smem:$0x3FC6] =	sst s2  }
0x8f: {  	_ = 	snop  }
0x90: {  	s2 =	sld [smem:$0x3FD0];
	(tm) =	ssettm $0x1  }
0x91: {  	s18 =	sld [smem:$0x3FFB];
	_ =	sdelay $0x3  }
0x92: {  	_ =	strace s18  }
0x93: {  	s3 =	sld [smem:$0x3FFC];
	_ =	sdelay $0x3  }
0x94: {  	_ =	strace s3  }
0x95: {  	s3 =	sld [smem:$0x3FFD];
	_ =	sdelay $0x3  }
0x96: {  	_ =	strace s3  }
0x97: {  	_ =	strace $0x8FFFFFFF  }
0x98: {  	s19 =	sld [smem:$0x3FDB];
	_ =	sdelay $0x1  }
0x99: {  	s4 =	simm.s32 $_scs_section_size  }
0x9a: {  	s5 =	simm.s32 $_size__tile_overlayer_lowered;
	s6 =	simm.s32 $_tile_overlayer_lowered  }
0x9b: {  	s22 =	simm.s32 $0x1BFF;
	s21 =	sshll.u32 s6, $0x1;
	s3 =	sadd.s32 s4, s19  }
0x9c: {  	s7 =	simm.s32 $0x0;
	s20 =	sshll.u32 s5, $0x1;
	s5 =	sadd.s32 s21, s3  }
0x9d: {  	[timem:s7], [sflag:s22] =	dma.local [hbm:s5], s20  }
0x9e: {  	_ =	swait.ge [sflag:s22], s20  }
0x9f: {  	s4 =	ssub.s32 $0x0, s20;
	[sflag:s22] =	ssyncset.done $0x0  }
0xa0: {  	[sflag:s22] =	ssyncadd.s32 s4;
	_ =	sdelay $0x1  }
0xa1: {  	s23 =	simm.s32 $0x1B8B  }
0xa2: {  	_ =	swait.ge [sflag:s23], $0x1  }
0xa3: {  	[sflag:s23] =	ssyncset.done $0x0  }
0xa4: {  	s25 =	simm.s32 $0x1B8E;
	s24 =	sld [smem:$0x3FFE];
	[sflag:s23] =	ssyncadd.s32 $0xFFFFFFFF  }
0xa5: {  	s26 =	simm.s32 $execute0_lowered;
	[smem:$0x3FD2] =	sst s25  }
0xa6: {  	s5 =	sshll.u32 s26, $0x1;
	_ =	strace $0x80000046;
	[dreg:$0x1] =	wrdreg $0xFFFFFFFF  }
0xa7: {  	s28 =	simm.s32 $_size_execute0_lowered;
	s3 =	sadd.s32 s3, s5;
	[dreg:$0x0] =	wrdreg $0x0  }
0xa8: {  	s5 =	sshll.u32 s28, $0x1;
	[dreg:$0x2] =	wrdreg s3  }
0xa9: {  	[dreg:$0x3] =	wrdreg s5  }
0xaa: {  	[dreg:$0x4] =	wrdreg $0xC0  }
0xab: {  	_ =	task [dreg:s7], $0x5FFFF  }
0xac: {  	[dreg:$0x1] =	wrdreg $0xFFFFFFFF  }
0xad: {  	[dreg:$0x0] =	wrdreg $0x60  }
0xae: {  	[dreg:$0x2] =	wrdreg s24  }
0xaf: {  	[dreg:$0x3] =	wrdreg s2  }
0xb0: {  	[dreg:$0x4] =	wrdreg $0x9  }
0xb1: {  	_ =	task.clear_ibuf [dreg:s7], $0x5FFFF;
	_ =	strace $0x90000046  }
0xb2: {  	s29 =	simm.s32 $0x9;
	_ =	strace $0x80000048  }
0xb3: {  	_ =	swait.ge [sflag:s29], $0x1  }
0xb4: {  	[sflag:s29] =	ssyncadd.s32 $0xFFFFFFFF  }
0xb5: {  	_ =	strace $0x90000048  }
0xb6: {  	_ =	sfence  }
0xb7: {  	s30 =	sld [smem:$0x0];
	_ =	sdelay $0x2  }
0xb8: {  	s31 =	sshll.u32 s1, $0xD;
	s1 =	sshrl.u32 s1, $0x2  }
0xb9: {  	s3 =	sand.u32 $0x4000, s31;
	s1 =	sadd.s32 s1, s30  }
0xba: {  	s0 =	sor.u32 s3, s0;
	s1 =	sshll.u32 s1, $0x11  }
0xbb: {  	s0 =	sor.u32 s1, s0  }
0xbc: {  	s0 =	sadd.s32 $0x8F2B, s0  }
0xbd: {  	[sflag:s0] =	ssyncadd.remote.s32 $0x1  }
0xbe: {  	_ =	sfence.sel $0xFFFF  }
0xbf: {  	[dreg:$0x0] =	wrdreg $0xFFFFFFFF;
	(pc) =	sbr.abs _section_cstart, $3  }
0xc0: {  	[dreg:$0x1] =	wrdreg $0xFFFFFFFF  }
0xc1: {  	_ =	task.clear_ibuf [dreg:s7], $0x2FFFF;
	_ =	strace $0x9FFFFFFF  }
0xc2: {  	(tm) =	ssettm $0x7FFFFFFF  }
0xc3: {  	_ =	shalt  }
tec
execute0_lowered:
.L_overlay_start_1:
0x0: {  	(tag) =	ssettag $0x1  }
0x1: {  	s0 =	srdreg.scid  }
0x2: {  	s10 =	stileid.u32;
	s1 =	rddreg [dreg:$0x0]  }
0x3: {  	s8 =	rddreg [dreg:$0x1];
	s11 =	simm.s32 $0x80;
	s12 =	simm.s32 $0x6400  }
0x4: {  	s13 =	simm.s32 $0x8400;
	s15 =	simm.s32 $0xA400;
	s17 =	simm.s32 $0xC400  }
0x5: {  	s19 =	simm.s32 $0xE400;
	s21 =	simm.s32 $0x10400;
	s28 =	simm.s32 $0x16400  }
0x6: {  	s29 =	simm.s32 $0x480;
	s30 =	simm.s32 $0x18400;
	s6 =	smul.u32 $0xC800, s10  }
0x7: {  	s0 =	sand.u32 $0x1, s0;
	s2 =	sshll.u32 s10, $0x1;
	s10 =	smul.u32 $0x64000, s10  }
0x8: {  	s31 =	simm.s32 $0x1;
	s14 =	simm.s32 $0x4;
	s9 =	smul.u32 $0x6400, s0  }
0x9: {  	s3 =	sor.u32 s0, s2;
	s23 =	ssub.s32 $0x2, s0;
	s0 =	smul.u32 $0x32000, s0  }
0xa: {  	s16 =	simm.s32 $0x0;
	s2 =	simm.s32 $0x0;
	s4 =	smul.u32 $0xC80, s3  }
0xb: {  	[smem:$0x7FF] =	sst s2;
	s5 =	smul.u32 $0x190000, s3;
	s3 =	sadd.s32 $0x19800, s1  }
0xc: {  	s7 =	sshrl.u32 s23, $0x1;
	s26 =	sadd.s32 s10, s8;
	s10 =	simm.s32 $0x5  }
0xd: {  	_ =	strace $0x80000047;
	s9 =	sadd.s32 s9, s6;
	s4 =	sadd.s32 s4, s1  }
0xe: {  	s5 =	sshrl.u32 s5, $0x3;
	s1 =	ssub.s32 s23, s7;
	s9 =	sshll.u32 s9, $0x3  }
0xf: {  	s23 =	simm.s32 $0x12400;
	s4 =	sadd.s32 $0x800, s4;
	s24 =	sadd.s32 s8, s5  }
0x10: {  	s7 =	smax.u32 s1, $0x1;
	s25 =	sadd.s32 s9, s8;
	s9 =	sadd.s32 s0, s26  }
0x11: {  	s1 =	simm.s32 $0x2;
	s0 =	simm.s32 $0x3;
	s5 =	sadd.s32 $0x2F800, s24  }
0x12: {  	s6 =	sadd.s32 $0x30C00, s24;
	s8 =	sadd.s32 $0x1400, s25;
	s25 =	simm.s32 $0x14400  }
.LBB2_1:
0x13: {  	[tilespmem:s2], [sflag:$0x5] =	stream.linear.gather [hbm4b:s4+s2], $0x6400, $0x38;
	[tilespmem:$0x1A400] =	vst v63  }
0x14: {  	_ =	swait.ge [sflag:s10], $0x6400  }
0x15: {  	[sflag:s10] =	ssyncset.done $0x0  }
0x16: {  	[sflag:s10] =	ssyncadd.s32 $0xFFFF9C00  }
0x17: {  	[tilespmem:s12], [sflag:$0x1] =	stream.indirect.gather [hbm4b:s3+s11], $0x40, s2, s11, $0xb8;
	[tilespmem:$0x1A400] =	vst v63  }
0x18: {  	_ = 	snop  }
0x19: {  	[tilespmem:s13], [sflag:$0x1] =	stream.indirect.gather [hbm4b:s3+s11], $0x40, s11, s11, $0xb8;
	[tilespmem:$0x1A400] =	vst v63  }
0x1a: {  	s18 =	simm.s32 $0x100  }
0x1b: {  	[tilespmem:s15], [sflag:$0x1] =	stream.indirect.gather [hbm4b:s3+s11], $0x40, s18, s11, $0xb8;
	[tilespmem:$0x1A400] =	vst v63  }
0x1c: {  	s22 =	simm.s32 $0x180  }
0x1d: {  	[tilespmem:s17], [sflag:$0x1] =	stream.indirect.gather [hbm4b:s3+s11], $0x40, s22, s11, $0xb8;
	[tilespmem:$0x1A400] =	vst v63  }
0x1e: {  	s24 =	simm.s32 $0x200  }
0x1f: {  	[tilespmem:s19], [sflag:$0x1] =	stream.indirect.gather [hbm4b:s3+s11], $0x40, s24, s11, $0xb8;
	[tilespmem:$0x1A400] =	vst v63  }
0x20: {  	s26 =	simm.s32 $0x280  }
0x21: {  	[tilespmem:s21], [sflag:$0x2] =	stream.indirect.gather [hbm4b:s3+s11], $0x40, s26, s11, $0xb8;
	[tilespmem:$0x1A400] =	vst v63  }
0x22: {  	s20 =	simm.s32 $0x300  }
0x23: {  	[tilespmem:s23], [sflag:$0x2] =	stream.indirect.gather [hbm4b:s3+s11], $0x40, s20, s11, $0xb8;
	[tilespmem:$0x1A400] =	vst v63  }
0x24: {  	s22 =	simm.s32 $0x380  }
0x25: {  	[tilespmem:s25], [sflag:$0x2] =	stream.indirect.gather [hbm4b:s3+s11], $0x40, s22, s11, $0xb8;
	[tilespmem:$0x1A400] =	vst v63  }
0x26: {  	s24 =	simm.s32 $0x400  }
0x27: {  	[tilespmem:s28], [sflag:$0x2] =	stream.indirect.gather [hbm4b:s3+s11], $0x40, s24, s11, $0xb8;
	[tilespmem:$0x1A400] =	vst v63  }
0x28: {  	_ = 	snop  }
0x29: {  	[tilespmem:s30], [sflag:$0x2] =	stream.indirect.gather [hbm4b:s3+s11], $0x40, s29, s11, $0xb8;
	[tilespmem:$0x1A400] =	vst v63  }
0x2a: {  	_ =	swait.ge [sflag:s31], $0x2000  }
0x2b: {  	[sflag:s31] =	ssyncset.done $0x0  }
0x2c: {  	[sflag:s31] =	ssyncadd.s32 $0xFFFFE000  }
0x2d: {  	_ =	swait.ge [sflag:s31], $0x2000  }
0x2e: {  	[sflag:s31] =	ssyncset.done $0x0  }
0x2f: {  	[sflag:s31] =	ssyncadd.s32 $0xFFFFE000  }
0x30: {  	_ =	swait.ge [sflag:s31], $0x2000  }
0x31: {  	[sflag:s31] =	ssyncset.done $0x0  }
0x32: {  	[sflag:s31] =	ssyncadd.s32 $0xFFFFE000  }
0x33: {  	_ =	swait.ge [sflag:s31], $0x2000  }
0x34: {  	[sflag:s31] =	ssyncset.done $0x0  }
0x35: {  	[sflag:s31] =	ssyncadd.s32 $0xFFFFE000  }
0x36: {  	_ =	swait.ge [sflag:s31], $0x2000  }
0x37: {  	[sflag:s31] =	ssyncset.done $0x0  }
0x38: {  	[sflag:s31] =	ssyncadd.s32 $0xFFFFE000  }
0x39: {  	[hbm4b:s9+s2] =	stream.linear.scatter [tilespmem:s12], [sflag:$0x3], $0xA000, $0x38;
	[tilespmem:$0x1A400] =	vst v63  }
0x3a: {  	_ =	swait.ge [sflag:s1], $0x2000  }
0x3b: {  	[sflag:s1] =	ssyncset.done $0x0  }
0x3c: {  	[sflag:s1] =	ssyncadd.s32 $0xFFFFE000  }
0x3d: {  	_ =	swait.ge [sflag:s1], $0x2000  }
0x3e: {  	[sflag:s1] =	ssyncset.done $0x0  }
0x3f: {  	[sflag:s1] =	ssyncadd.s32 $0xFFFFE000  }
0x40: {  	_ =	swait.ge [sflag:s1], $0x2000  }
0x41: {  	[sflag:s1] =	ssyncset.done $0x0  }
0x42: {  	[sflag:s1] =	ssyncadd.s32 $0xFFFFE000  }
0x43: {  	_ =	swait.ge [sflag:s1], $0x2000  }
0x44: {  	[sflag:s1] =	ssyncset.done $0x0  }
0x45: {  	[sflag:s1] =	ssyncadd.s32 $0xFFFFE000  }
0x46: {  	_ =	swait.ge [sflag:s1], $0x2000  }
0x47: {  	[sflag:s1] =	ssyncset.done $0x0  }
0x48: {  	[sflag:s1] =	ssyncadd.s32 $0xFFFFE000  }
0x49: {  	[hbm4b:s8+s2] =	stream.linear.scatter [tilespmem:s21], [sflag:$0x4], $0xA000, $0x38;
	[tilespmem:$0x1A400] =	vst v63  }
0x4a: {  	_ =	swait.ge [sflag:s0], $0xA000  }
0x4b: {  	[sflag:s0] =	ssyncset.done $0x0  }
0x4c: {  	s26 =	simm.s32 $0x500;
	[sflag:s0] =	ssyncadd.s32 $0xFFFF6000  }
0x4d: {  	[tilespmem:s12], [sflag:$0x1] =	stream.indirect.gather [hbm4b:s3+s11], $0x40, s26, s11, $0xb8;
	[tilespmem:$0x1A400] =	vst v63  }
0x4e: {  	s20 =	simm.s32 $0x580  }
0x4f: {  	[tilespmem:s13], [sflag:$0x1] =	stream.indirect.gather [hbm4b:s3+s11], $0x40, s20, s11, $0xb8;
	[tilespmem:$0x1A400] =	vst v63  }
0x50: {  	s22 =	simm.s32 $0x600  }
0x51: {  	[tilespmem:s15], [sflag:$0x1] =	stream.indirect.gather [hbm4b:s3+s11], $0x40, s22, s11, $0xb8;
	[tilespmem:$0x1A400] =	vst v63  }
0x52: {  	s24 =	simm.s32 $0x680  }
0x53: {  	[tilespmem:s17], [sflag:$0x1] =	stream.indirect.gather [hbm4b:s3+s11], $0x40, s24, s11, $0xb8;
	[tilespmem:$0x1A400] =	vst v63  }
0x54: {  	s26 =	simm.s32 $0x700  }
0x55: {  	[tilespmem:s19], [sflag:$0x1] =	stream.indirect.gather [hbm4b:s3+s11], $0x40, s26, s11, $0xb8;
	[tilespmem:$0x1A400] =	vst v63  }
0x56: {  	_ =	swait.ge [sflag:s14], $0xA000  }
0x57: {  	[sflag:s14] =	ssyncset.done $0x0  }
0x58: {  	s20 =	simm.s32 $0x780;
	[sflag:s14] =	ssyncadd.s32 $0xFFFF6000  }
0x59: {  	[tilespmem:s21], [sflag:$0x2] =	stream.indirect.gather [hbm4b:s3+s11], $0x40, s20, s11, $0xb8;
	[tilespmem:$0x1A400] =	vst v63  }
0x5a: {  	s22 =	simm.s32 $0x800  }
0x5b: {  	[tilespmem:s23], [sflag:$0x2] =	stream.indirect.gather [hbm4b:s3+s11], $0x40, s22, s11, $0xb8;
	[tilespmem:$0x1A400] =	vst v63  }
0x5c: {  	s18 =	simm.s32 $0x1400;
	s24 =	simm.s32 $0x880;
	s26 =	simm.s32 $0x900  }
0x5d: {  	[tilespmem:s25], [sflag:$0x2] =	stream.indirect.gather [hbm4b:s3+s11], $0x40, s24, s11, $0xb8;
	[tilespmem:$0x1A400] =	vst v63  }
0x5e: {  	s20 =	sadd.s32 $0x2800, s8;
	s22 =	sadd.s32 $0x2800, s9;
	s24 =	simm.s32 $0x980  }
0x5f: {  	[tilespmem:s28], [sflag:$0x2] =	stream.indirect.gather [hbm4b:s3+s11], $0x40, s26, s11, $0xb8;
	[tilespmem:$0x1A400] =	vst v63  }
.LBB2_2:
0x60: {  	[tilespmem:s30], [sflag:$0x2] =	stream.indirect.gather [hbm4b:s3+s11], $0x40, s24, s11, $0xb8;
	[tilespmem:$0x1A400] =	vst v63  }
0x61: {  	s24 =	smov.u32 s18  }
0x62: {  	p0 =	sne.s32 s18, $0x16800;
	s18 =	sadd.s32 $0x1400, s18;
	_ =	swait.ge [sflag:s31], $0x2000  }
0x63: {  	[sflag:s31] =	ssyncset.done $0x0  }
0x64: {  	[sflag:s31] =	ssyncadd.s32 $0xFFFFE000  }
0x65: {  	_ =	swait.ge [sflag:s31], $0x2000  }
0x66: {  	[sflag:s31] =	ssyncset.done $0x0  }
0x67: {  	[sflag:s31] =	ssyncadd.s32 $0xFFFFE000  }
0x68: {  	_ =	swait.ge [sflag:s31], $0x2000  }
0x69: {  	[sflag:s31] =	ssyncset.done $0x0  }
0x6a: {  	[sflag:s31] =	ssyncadd.s32 $0xFFFFE000  }
0x6b: {  	_ =	swait.ge [sflag:s31], $0x2000  }
0x6c: {  	[sflag:s31] =	ssyncset.done $0x0  }
0x6d: {  	[sflag:s31] =	ssyncadd.s32 $0xFFFFE000  }
0x6e: {  	_ =	swait.ge [sflag:s31], $0x2000  }
0x6f: {  	[sflag:s31] =	ssyncset.done $0x0  }
0x70: {  	[sflag:s31] =	ssyncadd.s32 $0xFFFFE000  }
0x71: {  	[hbm4b:s22+s2] =	stream.linear.scatter [tilespmem:s12], [sflag:$0x3], $0xA000, $0x38;
	[tilespmem:$0x1A400] =	vst v63  }
0x72: {  	_ =	swait.ge [sflag:s1], $0x2000  }
0x73: {  	[sflag:s1] =	ssyncset.done $0x0  }
0x74: {  	[sflag:s1] =	ssyncadd.s32 $0xFFFFE000  }
0x75: {  	_ =	swait.ge [sflag:s1], $0x2000  }
0x76: {  	[sflag:s1] =	ssyncset.done $0x0  }
0x77: {  	[sflag:s1] =	ssyncadd.s32 $0xFFFFE000  }
0x78: {  	_ =	swait.ge [sflag:s1], $0x2000  }
0x79: {  	[sflag:s1] =	ssyncset.done $0x0  }
0x7a: {  	[sflag:s1] =	ssyncadd.s32 $0xFFFFE000  }
0x7b: {  	_ =	swait.ge [sflag:s1], $0x2000  }
0x7c: {  	[sflag:s1] =	ssyncset.done $0x0  }
0x7d: {  	[sflag:s1] =	ssyncadd.s32 $0xFFFFE000  }
0x7e: {  	_ =	swait.ge [sflag:s1], $0x2000  }
0x7f: {  	[sflag:s1] =	ssyncset.done $0x0  }
0x80: {  	[sflag:s1] =	ssyncadd.s32 $0xFFFFE000  }
0x81: {  	[hbm4b:s20+s2] =	stream.linear.scatter [tilespmem:s21], [sflag:$0x4], $0xA000, $0x38;
	[tilespmem:$0x1A400] =	vst v63  }
0x82: {  	_ =	swait.ge [sflag:s0], $0xA000  }
0x83: {  	s24 =	sshra.s32 s24, $0x2;
	[sflag:s0] =	ssyncset.done $0x0  }
0x84: {  	s26 =	sadd.s32 $0x500, s24;
	[sflag:s0] =	ssyncadd.s32 $0xFFFF6000  }
0x85: {  	[tilespmem:s12], [sflag:$0x1] =	stream.indirect.gather [hbm4b:s3+s11], $0x40, s26, s11, $0xb8;
	[tilespmem:$0x1A400] =	vst v63  }
0x86: {  	s26 =	sadd.s32 $0x580, s24  }
0x87: {  	[tilespmem:s13], [sflag:$0x1] =	stream.indirect.gather [hbm4b:s3+s11], $0x40, s26, s11, $0xb8;
	[tilespmem:$0x1A400] =	vst v63  }
0x88: {  	s26 =	sadd.s32 $0x600, s24  }
0x89: {  	[tilespmem:s15], [sflag:$0x1] =	stream.indirect.gather [hbm4b:s3+s11], $0x40, s26, s11, $0xb8;
	[tilespmem:$0x1A400] =	vst v63  }
0x8a: {  	s26 =	sadd.s32 $0x680, s24  }
0x8b: {  	[tilespmem:s17], [sflag:$0x1] =	stream.indirect.gather [hbm4b:s3+s11], $0x40, s26, s11, $0xb8;
	[tilespmem:$0x1A400] =	vst v63  }
0x8c: {  	s26 =	sadd.s32 $0x700, s24  }
0x8d: {  	[tilespmem:s19], [sflag:$0x1] =	stream.indirect.gather [hbm4b:s3+s11], $0x40, s26, s11, $0xb8;
	[tilespmem:$0x1A400] =	vst v63  }
0x8e: {  	_ =	swait.ge [sflag:s14], $0xA000  }
0x8f: {  	[sflag:s14] =	ssyncset.done $0x0  }
0x90: {  	s26 =	sadd.s32 $0x780, s24;
	[sflag:s14] =	ssyncadd.s32 $0xFFFF6000  }
0x91: {  	[tilespmem:s21], [sflag:$0x2] =	stream.indirect.gather [hbm4b:s3+s11], $0x40, s26, s11, $0xb8;
	[tilespmem:$0x1A400] =	vst v63  }
0x92: {  	s26 =	sadd.s32 $0x800, s24  }
0x93: {  	[tilespmem:s23], [sflag:$0x2] =	stream.indirect.gather [hbm4b:s3+s11], $0x40, s26, s11, $0xb8;
	[tilespmem:$0x1A400] =	vst v63  }
.Ltmp0:
0x94: {  	s26 =	sadd.s32 $0x880, s24;
	(pc) =	sbr.rel @p0 .LBB2_2-.Ltmp0, $4  }
0x95: {  	[tilespmem:s25], [sflag:$0x2] =	stream.indirect.gather [hbm4b:s3+s11], $0x40, s26, s11, $0xb8;
	[tilespmem:$0x1A400] =	vst v63  }
0x96: {  	s26 =	sadd.s32 $0x900, s24  }
0x97: {  	[tilespmem:s28], [sflag:$0x2] =	stream.indirect.gather [hbm4b:s3+s11], $0x40, s26, s11, $0xb8;
	[tilespmem:$0x1A400] =	vst v63  }
0x98: {  	s22 =	sadd.s32 $0x2800, s22;
	s20 =	sadd.s32 $0x2800, s20;
	s24 =	sadd.s32 $0x980, s24  }
0x99: {  	[tilespmem:s30], [sflag:$0x2] =	stream.indirect.gather [hbm4b:s3+s11], $0x40, s24, s11, $0xb8;
	[tilespmem:$0x1A400] =	vst v63  }
0x9a: {  	_ =	swait.ge [sflag:s31], $0x2000  }
0x9b: {  	[sflag:s31] =	ssyncset.done $0x0  }
0x9c: {  	[sflag:s31] =	ssyncadd.s32 $0xFFFFE000  }
0x9d: {  	_ =	swait.ge [sflag:s31], $0x2000  }
0x9e: {  	[sflag:s31] =	ssyncset.done $0x0  }
0x9f: {  	[sflag:s31] =	ssyncadd.s32 $0xFFFFE000  }
0xa0: {  	_ =	swait.ge [sflag:s31], $0x2000  }
0xa1: {  	[sflag:s31] =	ssyncset.done $0x0  }
0xa2: {  	[sflag:s31] =	ssyncadd.s32 $0xFFFFE000  }
0xa3: {  	_ =	swait.ge [sflag:s31], $0x2000  }
0xa4: {  	[sflag:s31] =	ssyncset.done $0x0  }
0xa5: {  	[sflag:s31] =	ssyncadd.s32 $0xFFFFE000  }
0xa6: {  	_ =	swait.ge [sflag:s31], $0x2000  }
0xa7: {  	[sflag:s31] =	ssyncset.done $0x0  }
0xa8: {  	[sflag:s31] =	ssyncadd.s32 $0xFFFFE000  }
0xa9: {  	[hbm4b:s5+s2] =	stream.linear.scatter [tilespmem:s12], [sflag:$0x3], $0xA000, $0x38;
	[tilespmem:$0x1A400] =	vst v63  }
0xaa: {  	_ =	swait.ge [sflag:s1], $0x2000  }
0xab: {  	[sflag:s1] =	ssyncset.done $0x0  }
0xac: {  	[sflag:s1] =	ssyncadd.s32 $0xFFFFE000  }
0xad: {  	_ =	swait.ge [sflag:s1], $0x2000  }
0xae: {  	[sflag:s1] =	ssyncset.done $0x0  }
0xaf: {  	[sflag:s1] =	ssyncadd.s32 $0xFFFFE000  }
0xb0: {  	_ =	swait.ge [sflag:s1], $0x2000  }
0xb1: {  	[sflag:s1] =	ssyncset.done $0x0  }
0xb2: {  	[sflag:s1] =	ssyncadd.s32 $0xFFFFE000  }
0xb3: {  	_ =	swait.ge [sflag:s1], $0x2000  }
0xb4: {  	[sflag:s1] =	ssyncset.done $0x0  }
0xb5: {  	[sflag:s1] =	ssyncadd.s32 $0xFFFFE000  }
0xb6: {  	_ =	swait.ge [sflag:s1], $0x2000  }
0xb7: {  	[sflag:s1] =	ssyncset.done $0x0  }
0xb8: {  	s16 =	sadd.s32 $0x1, s16;
	[sflag:s1] =	ssyncadd.s32 $0xFFFFE000  }
0xb9: {  	[hbm4b:s6+s2] =	stream.linear.scatter [tilespmem:s21], [sflag:$0x4], $0xA000, $0x38;
	[tilespmem:$0x1A400] =	vst v63  }
0xba: {  	p0 =	sne.s32 s16, s7;
	_ =	swait.ge [sflag:s0], $0xA000  }
.Ltmp1:
0xbb: {  	[sflag:s0] =	ssyncset.done $0x0;
	(pc) =	sbr.rel @p0 .LBB2_1-.Ltmp1, $4  }
0xbc: {  	[sflag:s0] =	ssyncadd.s32 $0xFFFF6000  }
0xbd: {  	_ =	swait.ge [sflag:s14], $0xA000  }
0xbe: {  	[sflag:s14] =	ssyncset.done $0x0  }
0xbf: {  	[sflag:s14] =	ssyncadd.s32 $0xFFFF6000  }
0xc0: {  	_ =	sfence.sel $0x180000  }
0xc1: {  	[bflag:$0x0] =	sbarrier.arrive $0xFFFF  }
0xc2: {  	_ =	strace $0x90000047  }
0xc3: {  	s0 =	stileid.u32;
	[bflag:$0x2] =	sbarrier.arrive $0xFFFF  }
0xc4: {  	p0 =	sne.s32 s0, $0x0;
	s0 =	rddreg [dreg:$0x2]  }
0xc5: {  	s0 =	sadd.s32 @!p0 $0x100000, s0  }
0xc6: {  	[sflag:s0] =	ssyncadd.tile.s32 @!p0 $0x1;
	_ =	shalt  }
.Lfunc_end2:
_tile_overlayer_lowered:
.L_overlay_start_2:
0xc7: {  	(tag) =	ssettag $0x2  }
0xc8: {  	s0 =	rddreg [dreg:$0x0];
	s2 =	stileid.u32  }
0xc9: {  	s1 =	rddreg [dreg:$0x1];
	p0 =	sne.s32 s2, $0x0  }
0xca: {  	s3 =	rddreg [dreg:$0x2];
	[bflag:$0x3] =	sbarrier.arrive $0xFFFF;
	s2 =	simm.s32 @!p0 $0x1C05  }
0xcb: {  	[timem:s3], [sflag:s2] =	dma.local @!p0 [hbm:s0], s1  }
0xcc: {  	s0 =	simm.s32 @!p0 $0x5  }
0xcd: {  	_ =	swait.ge @!p0 [sflag:s0], s1  }
0xce: {  	s1 =	ssub.s32 @!p0 $0x0, s1;
	[sflag:s0] =	ssyncset.done @!p0 $0x0  }
0xcf: {  	[sflag:s0] =	ssyncadd.s32 @!p0 s1  }
0xd0: {  	[bflag:$0x3] =	sbarrier.arrive $0xFFFF  }
0xd1: {  	_ =	shalt  }

// kernel: sparse-core-data-format-call.cloned.1.call-start
scs
called_computation_lowered:
.L_overlay_start_0:
0x0: {  	s2 =	sld [smem:$0x3FD9]  }
0x1: {  	s3 =	sld [smem:$0x3FFE];
	_ =	sdelay $0x1  }
0x2: {  	s1 =	srdreg.scid  }
0x3: {  	s0 =	sand.u32 $0x1, s1  }
0x4: {  	s18 =	sshll.u32 s0, $0xA;
	s2 =	sadd.s32 s3, s2  }
0x5: {  	s2 =	sadd.s32 s2, s18  }
0x6: {  	[smem:$0x3FC6] =	sst s2  }
0x7: {  	_ = 	snop  }
0x8: {  	s2 =	sld [smem:$0x3FD0];
	(tm) =	ssettm $0x1  }
0x9: {  	s19 =	sld [smem:$0x3FFB];
	_ =	sdelay $0x3  }
0xa: {  	_ =	strace s19  }
0xb: {  	s3 =	sld [smem:$0x3FFC];
	_ =	sdelay $0x3  }
0xc: {  	_ =	strace s3  }
0xd: {  	s3 =	sld [smem:$0x3FFD];
	_ =	sdelay $0x3  }
0xe: {  	_ =	strace s3  }
0xf: {  	_ =	strace $0x8FFFFFFF  }
0x10: {  	s20 =	sld [smem:$0x3FDB];
	_ =	sdelay $0x1  }
0x11: {  	s4 =	simm.s32 $_scs_section_size  }
0x12: {  	s5 =	simm.s32 $_size__tile_overlayer_lowered;
	s6 =	simm.s32 $_tile_overlayer_lowered  }
0x13: {  	s23 =	simm.s32 $0x1BFF;
	s22 =	sshll.u32 s6, $0x1;
	s3 =	sadd.s32 s4, s20  }
0x14: {  	s7 =	simm.s32 $0x0;
	s21 =	sshll.u32 s5, $0x1;
	s5 =	sadd.s32 s22, s3  }
0x15: {  	[timem:s7], [sflag:s23] =	dma.local [hbm:s5], s21  }
0x16: {  	_ =	swait.ge [sflag:s23], s21  }
0x17: {  	s4 =	ssub.s32 $0x0, s21;
	[sflag:s23] =	ssyncset.done $0x0  }
0x18: {  	[sflag:s23] =	ssyncadd.s32 s4;
	_ =	sdelay $0x1  }
0x19: {  	s24 =	simm.s32 $0x1B8B  }
0x1a: {  	_ =	swait.ge [sflag:s24], $0x1  }
0x1b: {  	[sflag:s24] =	ssyncset.done $0x0  }
0x1c: {  	s26 =	simm.s32 $0x1B8E;
	s25 =	sld [smem:$0x3FFE];
	[sflag:s24] =	ssyncadd.s32 $0xFFFFFFFF  }
0x1d: {  	s27 =	simm.s32 $execute0_lowered;
	[smem:$0x3FD2] =	sst s26  }
0x1e: {  	s5 =	sshll.u32 s27, $0x1;
	_ =	strace $0x80000049;
	[dreg:$0x1] =	wrdreg $0xFFFFFFFF  }
0x1f: {  	s28 =	simm.s32 $_size_execute0_lowered;
	s3 =	sadd.s32 s3, s5;
	[dreg:$0x0] =	wrdreg $0x0  }
0x20: {  	s5 =	sshll.u32 s28, $0x1;
	[dreg:$0x2] =	wrdreg s3  }
0x21: {  	[dreg:$0x3] =	wrdreg s5  }
0x22: {  	[dreg:$0x4] =	wrdreg $0xC0  }
0x23: {  	_ =	task [dreg:s7], $0x5FFFF  }
0x24: {  	[dreg:$0x1] =	wrdreg $0xFFFFFFFF  }
0x25: {  	[dreg:$0x0] =	wrdreg $0x60  }
0x26: {  	[dreg:$0x2] =	wrdreg s25  }
0x27: {  	[dreg:$0x3] =	wrdreg s2  }
0x28: {  	[dreg:$0x4] =	wrdreg $0x9  }
0x29: {  	_ =	task.clear_ibuf [dreg:s7], $0x5FFFF;
	_ =	strace $0x90000049  }
0x2a: {  	s29 =	simm.s32 $0x9;
	_ =	strace $0x8000004B  }
0x2b: {  	_ =	swait.ge [sflag:s29], $0x1  }
0x2c: {  	[sflag:s29] =	ssyncadd.s32 $0xFFFFFFFF  }
0x2d: {  	_ =	strace $0x9000004B  }
0x2e: {  	_ =	sfence  }
0x2f: {  	s30 =	sld [smem:$0x0];
	_ =	sdelay $0x2  }
0x30: {  	s31 =	sshll.u32 s1, $0xD;
	s1 =	sshrl.u32 s1, $0x2  }
0x31: {  	s3 =	sand.u32 $0x4000, s31;
	s1 =	sadd.s32 s1, s30  }
0x32: {  	s0 =	sor.u32 s3, s0;
	s1 =	sshll.u32 s1, $0x11  }
0x33: {  	s0 =	sor.u32 s1, s0  }
0x34: {  	s0 =	sadd.s32 $0x8F2B, s0  }
0x35: {  	[sflag:s0] =	ssyncadd.remote.s32 $0x1  }
0x36: {  	_ =	sfence.sel $0xFFFF  }
0x37: {  	[dreg:$0x0] =	wrdreg $0xFFFFFFFF;
	(pc) =	sbr.abs _section_cstart, $3  }
0x38: {  	[dreg:$0x1] =	wrdreg $0xFFFFFFFF  }
0x39: {  	_ =	task.clear_ibuf [dreg:s7], $0x2FFFF;
	_ =	strace $0x9FFFFFFF  }
0x3a: {  	(tm) =	ssettm $0x7FFFFFFF  }
0x3b: {  	_ =	shalt  }
tec
execute0_lowered:
.L_overlay_start_1:
0x0: {  	(tag) =	ssettag $0x1  }
0x1: {  	s0 =	srdreg.scid  }
0x2: {  	s1 =	sshll.u32 s0, $0x4  }
0x3: {  	s0 =	stileid.u32;
	s1 =	sand.u32 $0x10, s1  }
0x4: {  	s1 =	sor.u32 s0, s1  }
0x5: {  	s6 =	rddreg [dreg:$0x0];
	s4 =	simm.s32 $0x1;
	s2 =	sshll.u32 s1, $0x7  }
0x6: {  	s7 =	simm.s32 $0x2;
	s12 =	simm.s32 $0x0;
	s1 =	ssub.s32 $0x1000, s2  }
0x7: {  	s8 =	simm.s32 $0x8000;
	s13 =	simm.s32 $0x0;
	s3 =	sand.u32 $0xF80, s1  }
0x8: {  	s9 =	simm.s32 $0x0;
	s5 =	sshrl.u32 s1, $0xC;
	p0 =	sne.s32 s3, $0x0  }
.Ltmp0:
0x9: {  	s1 =	rddreg [dreg:$0x2];
	s4 =	simm.s32 @!p0 $0x0;
	(pc) =	sbr.rel .LBB1_1-.Ltmp0, $4  }
0xa: {  	s11 =	simm.s32 $0x0;
	s3 =	rddreg [dreg:$0x1];
	s5 =	sadd.s32 s4, s5  }
0xb: {  	_ =	strace $0x8000004A;
	s4 =	simm.s32 $0x1;
	s5 =	smul.u32 $0xC8, s5  }
0xc: {  	s6 =	sadd.s32 $0x800, s6;
	s10 =	smov.u32 s2;
	[sflag:s4] =	ssyncpa.u1 $0x0  }
0xd: {  	p0 =	por $0x0, $0x0;
	[sflag:s7] =	ssyncpa.u1 $0x0;
	s7 =	sor.u32 $0x1, s5  }
.LBB1_4:
0xe: {  	s16 =	sshll.u32 s13, $0x3;
	s17 =	sand.u32 $0x78, s13  }
0xf: {  	s30 =	sand.u32 $0x7E00, s13;
	s12 =	sshll.u32 s12, $0xF;
	s16 =	sand.u32 $0xC00, s16  }
0x10: {  	[tilespmem:s15+$0x810 ss:$0x81] =	vst.msk $0xffff, v2;
	s31 =	sand.u32 $0x7, s13;
	s16 =	sor.u32 s17, s16;
	s17 =	sadd.s32 s3, s30  }
0x11: {  	[tilespmem:s15+$0x1020 ss:$0x81] =	vst.msk $0xffff, v0;
	s13 =	sshll.u32 s31, $0x12;
	s12 =	sadd.s32 s12, s17;
	s16 =	sshrl.u32 s16, $0x3  }
0x12: {  	[tilespmem:s15+$0x0 ss:$0x81] =	vst.msk $0xffff, v1;
	s13 =	sor.u32 $0x400, s13;
	s12 =	sadd.s32 s16, s12  }
0x13: {  	[hbm4b:s12+s13] =	stream.strided.scatter [tilespmem:s14], [sflag:$0x2], $0x2000, s8, s13, $0x20;
	[tilespmem:$0x8080] =	vst v63  }
.LBB1_5:
0x14: {  	s14 =	sadd.s32 $0x1, s9  }
0x15: {  	s12 =	sadd.s32 $0x1000, s10;
	s16 =	smov.u32 s10;
	p2 =	sgt.s32 s14, $0xC7  }
0x16: {  	s16 =	smov.u32 @p2 s12  }
0x17: {  	s14 =	simm.s32 @p2 $0x0;
	p2 =	sgt.s32 s16, $0xFFF  }
0x18: {  	s16 =	smov.u32 @p2 s2;
	p2 =	sne.s32 s11, s7  }
.Ltmp1:
0x19: {  	p1 =	slt.u32 s11, $0x2;
	(pc) =	sbr.rel @!p2 .LBB1_6-.Ltmp1, $4  }
0x1a: {  	s15 =	simm.s32 @!p1 $0x2  }
0x1b: {  	s13 =	smov.u32 s10;
	p0 =	por !p0, !p0;
	_ =	swait.ge @!p1 [sflag:s15], $0x2000  }
0x1c: {  	s12 =	smov.u32 s9;
	[sflag:s15] =	ssyncset.done @!p1 $0x0;
	s9 =	smov.u32 s14  }
0x1d: {  	s11 =	sadd.s32 $0x1, s11;
	[sflag:s15] =	ssyncadd.s32 @!p1 $0xFFFFE000;
	s10 =	smov.u32 s16  }
.LBB1_1:
0x1e: {  	p1 =	sge.u32 s11, s5  }
0x1f: {  	s14 =	sand.u32 @!p1 $0x1FFFFFF, s9  }
0x20: {  	s15 =	smulhi.u32 @!p1 $0x147AE15, s14;
	_ =	sdelay $0x1  }
0x21: {  	s15 =	smul.u32 @!p1 $0xC8, s15  }
0x22: {  	s16 =	sxor.u32 @!p1 $0xFFFFFFFF, s11;
	s17 =	smul.u32 @!p1 $0xC80, s10  }
0x23: {  	s31 =	sadd.s32 $0xFFFFFFFF, s11;
	s16 =	sshll.u32 @!p1 s16, $0xD;
	s14 =	ssub.s32 @!p1 s14, s15  }
0x24: {  	s15 =	sand.u32 @!p1 $0x2000, s16;
	s16 =	sadd.s32 @!p1 s6, s17;
	s14 =	sshll.u32 @!p1 s14, $0x4  }
0x25: {  	s17 =	simm.s32 @!p1 $0x6400;
	s14 =	sadd.s32 @!p1 s14, s16;
	s16 =	simm.s32 @!p1 $0x40  }
0x26: {  	[tilespmem:s15], [sflag:$0x1] =	stream.strided.gather @!p1 [hbm4b:s14+s16], $0x2000, s17, s16, $0x38;
	[tilespmem:$0x8080] =	vst v63  }
0x27: {  	p1 =	sge.u32 s31, s5  }
.Ltmp2:
0x28: {  	_ = 	snop;
	(pc) =	sbr.rel @p1 .LBB1_5-.Ltmp2, $1  }
0x29: {  	_ =	sdelay $0x3  }
0x2a: {  	s14 =	simm.s32 $0x1  }
0x2b: {  	_ =	swait.ge [sflag:s4], $0x2000;
	s14 =	simm.s32 @!p0 $0x0  }
0x2c: {  	[sflag:s4] =	ssyncset.done $0x0;
	s15 =	sshll.u32 s14, $0xD  }
0x2d: {  	[sflag:s4] =	ssyncadd.s32 $0xFFFFE000;
	s18 =	sor.u32 $0x20, s15  }
0x2e: {  	s14 =	smul.u32 $0x8100, s14;
	v3 =	vld [tilespmem:s18+$0x10]  }
0x2f: {  	s30 =	sand.u32 $0x1, s11;
	v2 =	vld [tilespmem:s18+$0xFFFFFFF0]  }
0x30: {  	s15 =	smul.u32 $0x8100, s30;
	s14 =	sshrl.u32 s14, $0x2;
	v0 =	vld [tilespmem:s18+$0x0]  }
0x31: {  	v1 =	vld [tilespmem:s18+$0xFFFFFFE0];
	s16 =	sor.u32 $0x4000, s14  }
0x32: {  	s31 =	sshrl.u32 s15, $0x2;
	s15 =	sadd.s32 $0x0, s16  }
0x33: {  	s17 =	simm.s32 $0x4;
	s18 =	sadd.s32 $0x40, s18;
	s14 =	sor.u32 $0x4000, s31;
	[tilespmem:s15+$0x1830 ss:$0x81] =	vst.msk $0xffff, v3  }
.LBB1_3:
0x34: {  	v3 =	vld [tilespmem:s18+$0x10];
	p1 =	sne.s32 s17, $0x1FC;
	[tilespmem:s15+$0x810 ss:$0x81] =	vst.msk $0xffff, v2;
	s19 =	smov.u32 s17;
	s17 =	sadd.s32 $0x4, s17  }
.Ltmp3:
0x35: {  	v2 =	vld [tilespmem:s18+$0xFFFFFFF0];
	[tilespmem:s15+$0x1020 ss:$0x81] =	vst.msk $0xffff, v0;
	(pc) =	sbr.rel @p1 .LBB1_3-.Ltmp3, $4  }
0x36: {  	v0 =	vld [tilespmem:s18+$0x0];
	[tilespmem:s15+$0x0 ss:$0x81] =	vst.msk $0xffff, v1  }
0x37: {  	s15 =	sshra.s32 s19, $0x2;
	v1 =	vld [tilespmem:s18+$0xFFFFFFE0]  }
0x38: {  	s15 =	sadd.s32 s15, s16  }
0x39: {  	s18 =	sadd.s32 $0x40, s18;
	[tilespmem:s15+$0x1830 ss:$0x81] =	vst.msk $0xffff, v3  }
.Ltmp4:
0x3a: {  	_ = 	snop;
	(pc) =	sbr.rel .LBB1_4-.Ltmp4, $1  }
0x3b: {  	_ =	sdelay $0x3  }
.LBB1_6:
0x3c: {  	_ =	sfence.sel $0x180000  }
0x3d: {  	s2 =	simm.s32 $0x1;
	[bflag:$0x0] =	sbarrier.arrive $0xFFFF  }
0x3e: {  	s31 =	simm.s32 $0x2;
	[sflag:s2] =	ssyncpa.u1 $0x1  }
0x3f: {  	[sflag:s31] =	ssyncpa.u1 $0x1  }
0x40: {  	p0 =	sne.s32 s0, $0x0;
	_ =	strace $0x9000004A  }
0x41: {  	s0 =	sadd.s32 @!p0 $0x100000, s1;
	[bflag:$0x2] =	sbarrier.arrive $0xFFFF  }
0x42: {  	[sflag:s0] =	ssyncadd.tile.s32 @!p0 $0x1;
	_ =	shalt  }
.Lfunc_end1:
_tile_overlayer_lowered:
.L_overlay_start_2:
0x43: {  	(tag) =	ssettag $0x2  }
0x44: {  	s0 =	rddreg [dreg:$0x0];
	s2 =	stileid.u32  }
0x45: {  	s1 =	rddreg [dreg:$0x1];
	p0 =	sne.s32 s2, $0x0  }
0x46: {  	s3 =	rddreg [dreg:$0x2];
	[bflag:$0x3] =	sbarrier.arrive $0xFFFF;
	s2 =	simm.s32 @!p0 $0x1C01  }
0x47: {  	[timem:s3], [sflag:s2] =	dma.local @!p0 [hbm:s0], s1  }
0x48: {  	s0 =	simm.s32 @!p0 $0x1  }
0x49: {  	_ =	swait.ge @!p0 [sflag:s0], s1  }
0x4a: {  	s1 =	ssub.s32 @!p0 $0x0, s1;
	[sflag:s0] =	ssyncset.done @!p0 $0x0  }
0x4b: {  	[sflag:s0] =	ssyncadd.s32 @!p0 s1  }
0x4c: {  	[bflag:$0x3] =	sbarrier.arrive $0xFFFF  }
0x4d: {  	_ =	shalt  }

</sc_bundles>
